<compile_context>
chip_gen: v7x
topology: tpu7x:2x2x1
jax: 0.10.2.dev20260603
libtpu: 0.0.44.dev20260713+nightly
codegen_flags: <defaults>
</compile_context>

<pallas_src>
import functools

import jax
import jax.numpy as jnp
from jax import lax
from jax.experimental import pallas as pl
from jax.experimental.pallas import tpu as pltpu
from jax.experimental.pallas import tpu_sc as plsc

N_FACTORS = 64
N_ROWS = 1000001
BATCH = 16384
TB = 16384
NTB = 31
HP = TB * NTB
NC, NS = 2, 16
NW = NC * NS
BPW = BATCH // NW

_sc_mesh = plsc.VectorSubcoreMesh(core_axis_name="c", subcore_axis_name="s")


@functools.partial(
    pl.kernel,
    mesh=_sc_mesh,
    compiler_params=pltpu.CompilerParams(use_tc_tiling_on_sc=True),
    out_type=jax.ShapeDtypeStruct((BATCH, 128), jnp.float32),
    scratch_types=[
        pltpu.VMEM((BPW,), jnp.int32),
        pltpu.VMEM((BPW, 128), jnp.float32),
        pltpu.SemaphoreType.DMA,
    ],
)
def _sc_gather(idx_hbm, tab_hbm, out, idx_v, rows_v, sem):
    wid = lax.axis_index("s") * NC + lax.axis_index("c")
    base = wid * BPW
    pltpu.sync_copy(idx_hbm.at[pl.ds(base, BPW)], idx_v)

    def body(g, _):
        vec = idx_v[pl.ds(g * 16, 16)]
        vec = jnp.where(vec >= HP, vec - HP, vec)
        for l in range(16):
            p = vec[l]
            pltpu.make_async_copy(tab_hbm.at[p], rows_v.at[g * 16 + l],
                                  sem).start()
        return 0
    lax.fori_loop(0, BPW // 16, body, 0)
    pltpu.make_async_copy(out.at[pl.ds(0, BPW)], rows_v, sem).wait()
    pltpu.sync_copy(rows_v, out.at[pl.ds(base, BPW)])


def _pair_body(a_ref, b_ref, eye_ref, out_ref):
    dn = (((0,), (0,)), ((), ()))
    c16 = jnp.concatenate(
        [a_ref[...], b_ref[...]], axis=0).astype(jnp.bfloat16)
    out_ref[...] = lax.dot_general(
        c16, eye_ref[...], dn, preferred_element_type=jnp.float32)


def _pair_table(tabT, eye16):
    return pl.pallas_call(
        _pair_body,
        grid=(NTB,),
        in_specs=[
            pl.BlockSpec((N_FACTORS, TB), lambda i: (0, i)),
            pl.BlockSpec((N_FACTORS, TB),
                         lambda i: (0, jnp.minimum(
                             i + NTB, (N_ROWS + TB - 1) // TB - 1))),
            pl.BlockSpec((128, 128), lambda i: (0, 0)),
        ],
        out_specs=pl.BlockSpec((TB, 128), lambda i: (i, 0)),
        out_shape=jax.ShapeDtypeStruct((HP, 128), jnp.float32),
    )(tabT, tabT, eye16)


BLK = 2048


def _mlp_body(u_ref, v_ref, mu_ref, mv_ref, w1a_ref, w1b_ref, b1_ref,
              w2_ref, b2_ref, wf_ref, bf_ref, out_ref):
    u = jnp.where(mu_ref[...] > 0.5, u_ref[:, N_FACTORS:],
                  u_ref[:, :N_FACTORS])
    v = jnp.where(mv_ref[...] > 0.5, v_ref[:, N_FACTORS:],
                  v_ref[:, :N_FACTORS])
    h = jnp.dot(u, w1a_ref[...], preferred_element_type=jnp.float32)
    h += jnp.dot(v, w1b_ref[...], preferred_element_type=jnp.float32)
    h = jnp.maximum(h + b1_ref[...], 0.0)
    h = jnp.dot(h, w2_ref[...], preferred_element_type=jnp.float32)
    h = jnp.maximum(h + b2_ref[...], 0.0)
    out_ref[...] = jnp.dot(h, wf_ref[...],
                           preferred_element_type=jnp.float32) + bf_ref[...]


def _mlp(u, v, mu, mv, W1, b1, W2, b2, Wf, bf):
    w1a, w1b = W1[:N_FACTORS], W1[N_FACTORS:]
    grid = (BATCH // BLK,)
    fixed = lambda i: (0, 0)
    return pl.pallas_call(
        _mlp_body,
        grid=grid,
        in_specs=[
            pl.BlockSpec((BLK, 128), lambda i: (i, 0)),
            pl.BlockSpec((BLK, 128), lambda i: (i, 0)),
            pl.BlockSpec((BLK, 1), lambda i: (i, 0)),
            pl.BlockSpec((BLK, 1), lambda i: (i, 0)),
            pl.BlockSpec((N_FACTORS, 256), fixed),
            pl.BlockSpec((N_FACTORS, 256), fixed),
            pl.BlockSpec((1, 256), fixed),
            pl.BlockSpec((256, 128), fixed),
            pl.BlockSpec((1, 128), fixed),
            pl.BlockSpec((128, 1), fixed),
            pl.BlockSpec((1, 1), fixed),
        ],
        out_specs=pl.BlockSpec((BLK, 1), lambda i: (i, 0)),
        out_shape=jax.ShapeDtypeStruct((BATCH, 1), jnp.float32),
    )(u, v, mu, mv, w1a, w1b, b1.reshape(1, 256), W2, b2.reshape(1, 128),
      Wf, bf.reshape(1, 1))


def kernel(users, items, user_emb, item_emb, W1, b1, W2, b2, Wf, bf):
    users = users.astype(jnp.int32)
    items = items.astype(jnp.int32)
    eye16 = jnp.eye(128, dtype=jnp.bfloat16)
    utab = _pair_table(user_emb.T, eye16)
    u = _sc_gather(users, utab)
    itab = _pair_table(item_emb.T, eye16)
    v = _sc_gather(items, itab)
    mu = (users >= HP).astype(jnp.float32).reshape(BATCH, 1)
    mv = (items >= HP).astype(jnp.float32).reshape(BATCH, 1)
    out = _mlp(u, v, mu, mv, W1, b1, W2, b2, Wf, bf)
    return out.reshape(BATCH)

# --- scband reference (transcript-rebuilt; emitter-appended) ---
"""Pipeline reference for scband-ncf-11493332484360 (READ-ONLY COPY).

The authoritative reference and input builder live on the scoring server;
editing this copy changes nothing except your own understanding.
"""

import jax, jax.numpy as jnp
import numpy as np

N_USERS = 1000000
N_ITEMS = 1000000
N_FACTORS = 64
BATCH = 16384


def setup_inputs(seed: int = 0) -> dict:
    key = jax.random.key(seed)
    ks = jax.random.split(key, 10)
    users = jax.random.randint(ks[0], (BATCH,), 0, N_USERS, dtype=jnp.int64 if jax.config.jax_enable_x64 else jnp.int32)
    items = jax.random.randint(ks[1], (BATCH,), 0, N_ITEMS, dtype=jnp.int64 if jax.config.jax_enable_x64 else jnp.int32)
    user_emb = jax.random.uniform(ks[2], (N_USERS + 1, N_FACTORS), dtype=jnp.float32, minval=-0.05, maxval=0.05)
    item_emb = jax.random.uniform(ks[3], (N_ITEMS + 1, N_FACTORS), dtype=jnp.float32, minval=-0.05, maxval=0.05)
    # MLP: Linear(128 -> 256), Linear(256 -> 128), fc Linear(128 -> 1). Stored as [in, out].
    W1 = jax.random.normal(ks[4], (2 * N_FACTORS, 256), dtype=jnp.float32) * (1.0 / np.sqrt(2 * N_FACTORS))
    b1 = jnp.full((256,), 0.01, dtype=jnp.float32)
    W2 = jax.random.normal(ks[5], (256, 128), dtype=jnp.float32) * (1.0 / np.sqrt(256))
    b2 = jnp.full((128,), 0.01, dtype=jnp.float32)
    Wf = jax.random.normal(ks[6], (128, 1), dtype=jnp.float32) * (1.0 / np.sqrt(128))
    bf = jnp.full((1,), 0.01, dtype=jnp.float32)
    return {"users": users, "items": items, "user_emb": user_emb, "item_emb": item_emb,
            "W1": W1, "b1": b1, "W2": W2, "b2": b2, "Wf": Wf, "bf": bf}


def reference(users, items, user_emb, item_emb, W1, b1, W2, b2, Wf, bf):
    # Embedding lookups (gather)
    u = jnp.take(user_emb, users, axis=0)
    v = jnp.take(item_emb, items, axis=0)
    cat = jnp.concatenate([u, v], axis=1)
    # dropout layers are identity at inference
    h = jax.nn.relu(cat @ W1 + b1)
    h = jax.nn.relu(h @ W2 + b2)
    out = h @ Wf + bf
    # y_range is None -> return squeezed logits
    return out.squeeze()

if __name__ == "__main__":
    import jax
    _d = setup_inputs()
    print(jax.jit(kernel)(*tuple(_d.values())))

</pallas_src>

<mosaic_0001>
#map = affine_map<(d0, d1) -> (0)>
#map1 = affine_map<(d0, d1) -> (0, 0)>
module attributes {stable_mosaic.version = 14 : i64} {
  func.func @_sc_gather(%arg0: i32, %arg1: i32, %arg2: memref<16384xi32, #tpu.memory_space<hbm>>, %arg3: memref<507904x128xf32, #tpu.memory_space<hbm>>, %arg4: memref<16384x128xf32, #tpu.memory_space<hbm>>, %arg5: memref<512xi32, #tpu.memory_space<vmem>>, %arg6: memref<512x128xf32, #tpu.memory_space<vmem>>, %arg7: memref<!tpu.dma_semaphore, #tpu.memory_space<semaphore_mem>>) attributes {dimension_semantics = [#tpu.dimension_semantics<core_parallel>, #tpu.dimension_semantics<subcore_parallel>], iteration_bounds = array<i64: 2, 16>, scalar_prefetch = 0 : i64, scratch_operands = 3 : i64, tpu.core_type = #tpu.core_type<sc_vector_subcore>, window_params = [{transform_indices = #map}, {transform_indices = #map1}, {transform_indices = #map1}]} {
    %mul3A = arith.constant 2 : i32
    %mul3A_0 = arith.muli %arg1, %mul3A : i32
    %add3A = arith.addi %mul3A_0, %arg0 : i32
    %mul3A_1 = arith.constant 512 : i32
    %mul3A_2 = arith.muli %add3A, %mul3A_1 : i32
    "tpu.region"() ({
      %run_scoped3A = tpu.sem_alloc : memref<!tpu.dma_semaphore, #tpu.memory_space<semaphore_mem>>
      %dma_start3A = tpu.memref_slice %arg2[%mul3A_2] : memref<16384xi32, #tpu.memory_space<hbm>> -> memref<512xi32, #tpu.memory_space<hbm>>
      %dma_start3A_14 = tpu.memref_slice %arg2[%mul3A_2] : memref<16384xi32, #tpu.memory_space<hbm>> -> memref<512xi32, #tpu.memory_space<hbm>>
      tpu.enqueue_dma source(%dma_start3A_14 : memref<512xi32, #tpu.memory_space<hbm>>) target(%arg5 : memref<512xi32, #tpu.memory_space<vmem>>) target_semaphore(%run_scoped3A : memref<!tpu.dma_semaphore, #tpu.memory_space<semaphore_mem>>)
      %dma_wait3A_15 = tpu.memref_slice %arg2[%mul3A_2] : memref<16384xi32, #tpu.memory_space<hbm>> -> memref<512xi32, #tpu.memory_space<hbm>>
      %dma_wait3A_16 = tpu.memref_slice %arg2[%mul3A_2] : memref<16384xi32, #tpu.memory_space<hbm>> -> memref<512xi32, #tpu.memory_space<hbm>>
      tpu.wait_dma2 semaphore(%run_scoped3A : memref<!tpu.dma_semaphore, #tpu.memory_space<semaphore_mem>>) src(%dma_wait3A_16 : memref<512xi32, #tpu.memory_space<hbm>>) dst(%arg5 : memref<512xi32, #tpu.memory_space<vmem>>)
      tpu.yield
    }) : () -> ()
    %scan3A = arith.constant 0 : i32
    %scan3A_3 = arith.constant 0 : i32
    %scan3A_4 = arith.constant 32 : i32
    %scan3A_5 = arith.addi %scan3A_3, %scan3A_4 : i32
    %scan3A_6 = arith.constant 1 : i32
    %scan3A_7 = scf.for %scan3A_14 = %scan3A_3 to %scan3A_5 step %scan3A_6 iter_args(%scan3A_15 = %scan3A) -> (i32)  : i32 {
      %mul3A_16 = arith.constant 16 : i32
      %mul3A_17 = arith.muli %scan3A_14, %mul3A_16 : i32
      %get3A = arith.index_cast %mul3A_17 : i32 to index
      %get3A_18 = tpu.vector_load %arg5[%get3A] {strides = array<i32>} : memref<512xi32, #tpu.memory_space<vmem>>, vector<16xi32>,
      %get3A_19 = vector.shape_cast %get3A_18 : vector<16xi32> to vector<16xi32>
      %ge3A = arith.constant 507904 : i32
      %ge3A_20 = vector.broadcast %ge3A : i32 to vector<16xi32>
      %ge3A_21 = arith.cmpi sge, %get3A_19, %ge3A_20 : vector<16xi32>
      %sub3A = arith.constant 507904 : i32
      %sub3A_22 = vector.broadcast %sub3A : i32 to vector<16xi32>
      %sub3A_23 = arith.subi %get3A_19, %sub3A_22 : vector<16xi32>
      %select_n3A = arith.select %ge3A_21, %sub3A_23, %get3A_19 : vector<16xi1>, vector<16xi32>
      %slice3A = vector.extract_strided_slice %select_n3A {offsets = [0], sizes = [1], strides = [1]} : vector<16xi32> to vector<1xi32>
      %squeeze3A = vector.extract %slice3A[0] : i32 from vector<1xi32>
      %mul3A_24 = arith.constant 16 : i32
      %mul3A_25 = arith.muli %scan3A_14, %mul3A_24 : i32
      %add3A_26 = arith.constant 0 : i32
      %add3A_27 = arith.addi %mul3A_25, %add3A_26 : i32
      %dma_start3A = arith.constant 0 : i32
      %dma_start3A_28 = tpu.memref_slice %arg6[%add3A_27, %dma_start3A] : memref<512x128xf32, #tpu.memory_space<vmem>> -> memref<1x128xf32, #tpu.memory_space<vmem>>
      %dma_start3A_29 = tpu.memref_squeeze %dma_start3A_28 : memref<1x128xf32, #tpu.memory_space<vmem>> -> memref<128xf32, #tpu.memory_space<vmem>>
      %dma_start3A_30 = arith.constant 0 : i32
      %dma_start3A_31 = tpu.memref_slice %arg3[%squeeze3A, %dma_start3A_30] : memref<507904x128xf32, #tpu.memory_space<hbm>> -> memref<1x128xf32, #tpu.memory_space<hbm>>
      %dma_start3A_32 = tpu.memref_squeeze %dma_start3A_31 : memref<1x128xf32, #tpu.memory_space<hbm>> -> memref<128xf32, #tpu.memory_space<hbm>>
      %dma_start3A_33 = arith.constant 0 : i32
      %dma_start3A_34 = tpu.memref_slice %arg6[%add3A_27, %dma_start3A_33] : memref<512x128xf32, #tpu.memory_space<vmem>> -> memref<1x128xf32, #tpu.memory_space<vmem>>
      %dma_start3A_35 = tpu.memref_squeeze %dma_start3A_34 : memref<1x128xf32, #tpu.memory_space<vmem>> -> memref<128xf32, #tpu.memory_space<vmem>>
      %dma_start3A_36 = arith.constant 0 : i32
      %dma_start3A_37 = tpu.memref_slice %arg3[%squeeze3A, %dma_start3A_36] : memref<507904x128xf32, #tpu.memory_space<hbm>> -> memref<1x128xf32, #tpu.memory_space<hbm>>
      %dma_start3A_38 = tpu.memref_squeeze %dma_start3A_37 : memref<1x128xf32, #tpu.memory_space<hbm>> -> memref<128xf32, #tpu.memory_space<hbm>>
      tpu.enqueue_dma source(%dma_start3A_38 : memref<128xf32, #tpu.memory_space<hbm>>) target(%dma_start3A_35 : memref<128xf32, #tpu.memory_space<vmem>>) target_semaphore(%arg7 : memref<!tpu.dma_semaphore, #tpu.memory_space<semaphore_mem>>)
      %slice3A_39 = vector.extract_strided_slice %select_n3A {offsets = [1], sizes = [1], strides = [1]} : vector<16xi32> to vector<1xi32>
      %squeeze3A_40 = vector.extract %slice3A_39[0] : i32 from vector<1xi32>
      %mul3A_41 = arith.constant 16 : i32
      %mul3A_42 = arith.muli %scan3A_14, %mul3A_41 : i32
      %add3A_43 = arith.constant 1 : i32
      %add3A_44 = arith.addi %mul3A_42, %add3A_43 : i32
      %dma_start3A_45 = arith.constant 0 : i32
      %dma_start3A_46 = tpu.memref_slice %arg6[%add3A_44, %dma_start3A_45] : memref<512x128xf32, #tpu.memory_space<vmem>> -> memref<1x128xf32, #tpu.memory_space<vmem>>
      %dma_start3A_47 = tpu.memref_squeeze %dma_start3A_46 : memref<1x128xf32, #tpu.memory_space<vmem>> -> memref<128xf32, #tpu.memory_space<vmem>>
      %dma_start3A_48 = arith.constant 0 : i32
      %dma_start3A_49 = tpu.memref_slice %arg3[%squeeze3A_40, %dma_start3A_48] : memref<507904x128xf32, #tpu.memory_space<hbm>> -> memref<1x128xf32, #tpu.memory_space<hbm>>
      %dma_start3A_50 = tpu.memref_squeeze %dma_start3A_49 : memref<1x128xf32, #tpu.memory_space<hbm>> -> memref<128xf32, #tpu.memory_space<hbm>>
      %dma_start3A_51 = arith.constant 0 : i32
      %dma_start3A_52 = tpu.memref_slice %arg6[%add3A_44, %dma_start3A_51] : memref<512x128xf32, #tpu.memory_space<vmem>> -> memref<1x128xf32, #tpu.memory_space<vmem>>
      %dma_start3A_53 = tpu.memref_squeeze %dma_start3A_52 : memref<1x128xf32, #tpu.memory_space<vmem>> -> memref<128xf32, #tpu.memory_space<vmem>>
      %dma_start3A_54 = arith.constant 0 : i32
      %dma_start3A_55 = tpu.memref_slice %arg3[%squeeze3A_40, %dma_start3A_54] : memref<507904x128xf32, #tpu.memory_space<hbm>> -> memref<1x128xf32, #tpu.memory_space<hbm>>
      %dma_start3A_56 = tpu.memref_squeeze %dma_start3A_55 : memref<1x128xf32, #tpu.memory_space<hbm>> -> memref<128xf32, #tpu.memory_space<hbm>>
      tpu.enqueue_dma source(%dma_start3A_56 : memref<128xf32, #tpu.memory_space<hbm>>) target(%dma_start3A_53 : memref<128xf32, #tpu.memory_space<vmem>>) target_semaphore(%arg7 : memref<!tpu.dma_semaphore, #tpu.memory_space<semaphore_mem>>)
      %slice3A_57 = vector.extract_strided_slice %select_n3A {offsets = [2], sizes = [1], strides = [1]} : vector<16xi32> to vector<1xi32>
      %squeeze3A_58 = vector.extract %slice3A_57[0] : i32 from vector<1xi32>
      %mul3A_59 = arith.constant 16 : i32
      %mul3A_60 = arith.muli %scan3A_14, %mul3A_59 : i32
      %add3A_61 = arith.constant 2 : i32
      %add3A_62 = arith.addi %mul3A_60, %add3A_61 : i32
      %dma_start3A_63 = arith.constant 0 : i32
      %dma_start3A_64 = tpu.memref_slice %arg6[%add3A_62, %dma_start3A_63] : memref<512x128xf32, #tpu.memory_space<vmem>> -> memref<1x128xf32, #tpu.memory_space<vmem>>
      %dma_start3A_65 = tpu.memref_squeeze %dma_start3A_64 : memref<1x128xf32, #tpu.memory_space<vmem>> -> memref<128xf32, #tpu.memory_space<vmem>>
      %dma_start3A_66 = arith.constant 0 : i32
      %dma_start3A_67 = tpu.memref_slice %arg3[%squeeze3A_58, %dma_start3A_66] : memref<507904x128xf32, #tpu.memory_space<hbm>> -> memref<1x128xf32, #tpu.memory_space<hbm>>
      %dma_start3A_68 = tpu.memref_squeeze %dma_start3A_67 : memref<1x128xf32, #tpu.memory_space<hbm>> -> memref<128xf32, #tpu.memory_space<hbm>>
      %dma_start3A_69 = arith.constant 0 : i32
      %dma_start3A_70 = tpu.memref_slice %arg6[%add3A_62, %dma_start3A_69] : memref<512x128xf32, #tpu.memory_space<vmem>> -> memref<1x128xf32, #tpu.memory_space<vmem>>
      %dma_start3A_71 = tpu.memref_squeeze %dma_start3A_70 : memref<1x128xf32, #tpu.memory_space<vmem>> -> memref<128xf32, #tpu.memory_space<vmem>>
      %dma_start3A_72 = arith.constant 0 : i32
      %dma_start3A_73 = tpu.memref_slice %arg3[%squeeze3A_58, %dma_start3A_72] : memref<507904x128xf32, #tpu.memory_space<hbm>> -> memref<1x128xf32, #tpu.memory_space<hbm>>
      %dma_start3A_74 = tpu.memref_squeeze %dma_start3A_73 : memref<1x128xf32, #tpu.memory_space<hbm>> -> memref<128xf32, #tpu.memory_space<hbm>>
      tpu.enqueue_dma source(%dma_start3A_74 : memref<128xf32, #tpu.memory_space<hbm>>) target(%dma_start3A_71 : memref<128xf32, #tpu.memory_space<vmem>>) target_semaphore(%arg7 : memref<!tpu.dma_semaphore, #tpu.memory_space<semaphore_mem>>)
      %slice3A_75 = vector.extract_strided_slice %select_n3A {offsets = [3], sizes = [1], strides = [1]} : vector<16xi32> to vector<1xi32>
      %squeeze3A_76 = vector.extract %slice3A_75[0] : i32 from vector<1xi32>
      %mul3A_77 = arith.constant 16 : i32
      %mul3A_78 = arith.muli %scan3A_14, %mul3A_77 : i32
      %add3A_79 = arith.constant 3 : i32
      %add3A_80 = arith.addi %mul3A_78, %add3A_79 : i32
      %dma_start3A_81 = arith.constant 0 : i32
      %dma_start3A_82 = tpu.memref_slice %arg6[%add3A_80, %dma_start3A_81] : memref<512x128xf32, #tpu.memory_space<vmem>> -> memref<1x128xf32, #tpu.memory_space<vmem>>
      %dma_start3A_83 = tpu.memref_squeeze %dma_start3A_82 : memref<1x128xf32, #tpu.memory_space<vmem>> -> memref<128xf32, #tpu.memory_space<vmem>>
      %dma_start3A_84 = arith.constant 0 : i32
      %dma_start3A_85 = tpu.memref_slice %arg3[%squeeze3A_76, %dma_start3A_84] : memref<507904x128xf32, #tpu.memory_space<hbm>> -> memref<1x128xf32, #tpu.memory_space<hbm>>
      %dma_start3A_86 = tpu.memref_squeeze %dma_start3A_85 : memref<1x128xf32, #tpu.memory_space<hbm>> -> memref<128xf32, #tpu.memory_space<hbm>>
      %dma_start3A_87 = arith.constant 0 : i32
      %dma_start3A_88 = tpu.memref_slice %arg6[%add3A_80, %dma_start3A_87] : memref<512x128xf32, #tpu.memory_space<vmem>> -> memref<1x128xf32, #tpu.memory_space<vmem>>
      %dma_start3A_89 = tpu.memref_squeeze %dma_start3A_88 : memref<1x128xf32, #tpu.memory_space<vmem>> -> memref<128xf32, #tpu.memory_space<vmem>>
      %dma_start3A_90 = arith.constant 0 : i32
      %dma_start3A_91 = tpu.memref_slice %arg3[%squeeze3A_76, %dma_start3A_90] : memref<507904x128xf32, #tpu.memory_space<hbm>> -> memref<1x128xf32, #tpu.memory_space<hbm>>
      %dma_start3A_92 = tpu.memref_squeeze %dma_start3A_91 : memref<1x128xf32, #tpu.memory_space<hbm>> -> memref<128xf32, #tpu.memory_space<hbm>>
      tpu.enqueue_dma source(%dma_start3A_92 : memref<128xf32, #tpu.memory_space<hbm>>) target(%dma_start3A_89 : memref<128xf32, #tpu.memory_space<vmem>>) target_semaphore(%arg7 : memref<!tpu.dma_semaphore, #tpu.memory_space<semaphore_mem>>)
      %slice3A_93 = vector.extract_strided_slice %select_n3A {offsets = [4], sizes = [1], strides = [1]} : vector<16xi32> to vector<1xi32>
      %squeeze3A_94 = vector.extract %slice3A_93[0] : i32 from vector<1xi32>
      %mul3A_95 = arith.constant 16 : i32
      %mul3A_96 = arith.muli %scan3A_14, %mul3A_95 : i32
      %add3A_97 = arith.constant 4 : i32
      %add3A_98 = arith.addi %mul3A_96, %add3A_97 : i32
      %dma_start3A_99 = arith.constant 0 : i32
      %dma_start3A_100 = tpu.memref_slice %arg6[%add3A_98, %dma_start3A_99] : memref<512x128xf32, #tpu.memory_space<vmem>> -> memref<1x128xf32, #tpu.memory_space<vmem>>
      %dma_start3A_101 = tpu.memref_squeeze %dma_start3A_100 : memref<1x128xf32, #tpu.memory_space<vmem>> -> memref<128xf32, #tpu.memory_space<vmem>>
      %dma_start3A_102 = arith.constant 0 : i32
      %dma_start3A_103 = tpu.memref_slice %arg3[%squeeze3A_94, %dma_start3A_102] : memref<507904x128xf32, #tpu.memory_space<hbm>> -> memref<1x128xf32, #tpu.memory_space<hbm>>
      %dma_start3A_104 = tpu.memref_squeeze %dma_start3A_103 : memref<1x128xf32, #tpu.memory_space<hbm>> -> memref<128xf32, #tpu.memory_space<hbm>>
      %dma_start3A_105 = arith.constant 0 : i32
      %dma_start3A_106 = tpu.memref_slice %arg6[%add3A_98, %dma_start3A_105] : memref<512x128xf32, #tpu.memory_space<vmem>> -> memref<1x128xf32, #tpu.memory_space<vmem>>
      %dma_start3A_107 = tpu.memref_squeeze %dma_start3A_106 : memref<1x128xf32, #tpu.memory_space<vmem>> -> memref<128xf32, #tpu.memory_space<vmem>>
      %dma_start3A_108 = arith.constant 0 : i32
      %dma_start3A_109 = tpu.memref_slice %arg3[%squeeze3A_94, %dma_start3A_108] : memref<507904x128xf32, #tpu.memory_space<hbm>> -> memref<1x128xf32, #tpu.memory_space<hbm>>
      %dma_start3A_110 = tpu.memref_squeeze %dma_start3A_109 : memref<1x128xf32, #tpu.memory_space<hbm>> -> memref<128xf32, #tpu.memory_space<hbm>>
      tpu.enqueue_dma source(%dma_start3A_110 : memref<128xf32, #tpu.memory_space<hbm>>) target(%dma_start3A_107 : memref<128xf32, #tpu.memory_space<vmem>>) target_semaphore(%arg7 : memref<!tpu.dma_semaphore, #tpu.memory_space<semaphore_mem>>)
      %slice3A_111 = vector.extract_strided_slice %select_n3A {offsets = [5], sizes = [1], strides = [1]} : vector<16xi32> to vector<1xi32>
      %squeeze3A_112 = vector.extract %slice3A_111[0] : i32 from vector<1xi32>
      %mul3A_113 = arith.constant 16 : i32
      %mul3A_114 = arith.muli %scan3A_14, %mul3A_113 : i32
      %add3A_115 = arith.constant 5 : i32
      %add3A_116 = arith.addi %mul3A_114, %add3A_115 : i32
      %dma_start3A_117 = arith.constant 0 : i32
      %dma_start3A_118 = tpu.memref_slice %arg6[%add3A_116, %dma_start3A_117] : memref<512x128xf32, #tpu.memory_space<vmem>> -> memref<1x128xf32, #tpu.memory_space<vmem>>
      %dma_start3A_119 = tpu.memref_squeeze %dma_start3A_118 : memref<1x128xf32, #tpu.memory_space<vmem>> -> memref<128xf32, #tpu.memory_space<vmem>>
      %dma_start3A_120 = arith.constant 0 : i32
      %dma_start3A_121 = tpu.memref_slice %arg3[%squeeze3A_112, %dma_start3A_120] : memref<507904x128xf32, #tpu.memory_space<hbm>> -> memref<1x128xf32, #tpu.memory_space<hbm>>
      %dma_start3A_122 = tpu.memref_squeeze %dma_start3A_121 : memref<1x128xf32, #tpu.memory_space<hbm>> -> memref<128xf32, #tpu.memory_space<hbm>>
      %dma_start3A_123 = arith.constant 0 : i32
      %dma_start3A_124 = tpu.memref_slice %arg6[%add3A_116, %dma_start3A_123] : memref<512x128xf32, #tpu.memory_space<vmem>> -> memref<1x128xf32, #tpu.memory_space<vmem>>
      %dma_start3A_125 = tpu.memref_squeeze %dma_start3A_124 : memref<1x128xf32, #tpu.memory_space<vmem>> -> memref<128xf32, #tpu.memory_space<vmem>>
      %dma_start3A_126 = arith.constant 0 : i32
      %dma_start3A_127 = tpu.memref_slice %arg3[%squeeze3A_112, %dma_start3A_126] : memref<507904x128xf32, #tpu.memory_space<hbm>> -> memref<1x128xf32, #tpu.memory_space<hbm>>
      %dma_start3A_128 = tpu.memref_squeeze %dma_start3A_127 : memref<1x128xf32, #tpu.memory_space<hbm>> -> memref<128xf32, #tpu.memory_space<hbm>>
      tpu.enqueue_dma source(%dma_start3A_128 : memref<128xf32, #tpu.memory_space<hbm>>) target(%dma_start3A_125 : memref<128xf32, #tpu.memory_space<vmem>>) target_semaphore(%arg7 : memref<!tpu.dma_semaphore, #tpu.memory_space<semaphore_mem>>)
      %slice3A_129 = vector.extract_strided_slice %select_n3A {offsets = [6], sizes = [1], strides = [1]} : vector<16xi32> to vector<1xi32>
      %squeeze3A_130 = vector.extract %slice3A_129[0] : i32 from vector<1xi32>
      %mul3A_131 = arith.constant 16 : i32
      %mul3A_132 = arith.muli %scan3A_14, %mul3A_131 : i32
      %add3A_133 = arith.constant 6 : i32
      %add3A_134 = arith.addi %mul3A_132, %add3A_133 : i32
      %dma_start3A_135 = arith.constant 0 : i32
      %dma_start3A_136 = tpu.memref_slice %arg6[%add3A_134, %dma_start3A_135] : memref<512x128xf32, #tpu.memory_space<vmem>> -> memref<1x128xf32, #tpu.memory_space<vmem>>
      %dma_start3A_137 = tpu.memref_squeeze %dma_start3A_136 : memref<1x128xf32, #tpu.memory_space<vmem>> -> memref<128xf32, #tpu.memory_space<vmem>>
      %dma_start3A_138 = arith.constant 0 : i32
      %dma_start3A_139 = tpu.memref_slice %arg3[%squeeze3A_130, %dma_start3A_138] : memref<507904x128xf32, #tpu.memory_space<hbm>> -> memref<1x128xf32, #tpu.memory_space<hbm>>
      %dma_start3A_140 = tpu.memref_squeeze %dma_start3A_139 : memref<1x128xf32, #tpu.memory_space<hbm>> -> memref<128xf32, #tpu.memory_space<hbm>>
      %dma_start3A_141 = arith.constant 0 : i32
      %dma_start3A_142 = tpu.memref_slice %arg6[%add3A_134, %dma_start3A_141] : memref<512x128xf32, #tpu.memory_space<vmem>> -> memref<1x128xf32, #tpu.memory_space<vmem>>
      %dma_start3A_143 = tpu.memref_squeeze %dma_start3A_142 : memref<1x128xf32, #tpu.memory_space<vmem>> -> memref<128xf32, #tpu.memory_space<vmem>>
      %dma_start3A_144 = arith.constant 0 : i32
      %dma_start3A_145 = tpu.memref_slice %arg3[%squeeze3A_130, %dma_start3A_144] : memref<507904x128xf32, #tpu.memory_space<hbm>> -> memref<1x128xf32, #tpu.memory_space<hbm>>
      %dma_start3A_146 = tpu.memref_squeeze %dma_start3A_145 : memref<1x128xf32, #tpu.memory_space<hbm>> -> memref<128xf32, #tpu.memory_space<hbm>>
      tpu.enqueue_dma source(%dma_start3A_146 : memref<128xf32, #tpu.memory_space<hbm>>) target(%dma_start3A_143 : memref<128xf32, #tpu.memory_space<vmem>>) target_semaphore(%arg7 : memref<!tpu.dma_semaphore, #tpu.memory_space<semaphore_mem>>)
      %slice3A_147 = vector.extract_strided_slice %select_n3A {offsets = [7], sizes = [1], strides = [1]} : vector<16xi32> to vector<1xi32>
      %squeeze3A_148 = vector.extract %slice3A_147[0] : i32 from vector<1xi32>
      %mul3A_149 = arith.constant 16 : i32
      %mul3A_150 = arith.muli %scan3A_14, %mul3A_149 : i32
      %add3A_151 = arith.constant 7 : i32
      %add3A_152 = arith.addi %mul3A_150, %add3A_151 : i32
      %dma_start3A_153 = arith.constant 0 : i32
      %dma_start3A_154 = tpu.memref_slice %arg6[%add3A_152, %dma_start3A_153] : memref<512x128xf32, #tpu.memory_space<vmem>> -> memref<1x128xf32, #tpu.memory_space<vmem>>
      %dma_start3A_155 = tpu.memref_squeeze %dma_start3A_154 : memref<1x128xf32, #tpu.memory_space<vmem>> -> memref<128xf32, #tpu.memory_space<vmem>>
      %dma_start3A_156 = arith.constant 0 : i32
      %dma_start3A_157 = tpu.memref_slice %arg3[%squeeze3A_148, %dma_start3A_156] : memref<507904x128xf32, #tpu.memory_space<hbm>> -> memref<1x128xf32, #tpu.memory_space<hbm>>
      %dma_start3A_158 = tpu.memref_squeeze %dma_start3A_157 : memref<1x128xf32, #tpu.memory_space<hbm>> -> memref<128xf32, #tpu.memory_space<hbm>>
      %dma_start3A_159 = arith.constant 0 : i32
      %dma_start3A_160 = tpu.memref_slice %arg6[%add3A_152, %dma_start3A_159] : memref<512x128xf32, #tpu.memory_space<vmem>> -> memref<1x128xf32, #tpu.memory_space<vmem>>
      %dma_start3A_161 = tpu.memref_squeeze %dma_start3A_160 : memref<1x128xf32, #tpu.memory_space<vmem>> -> memref<128xf32, #tpu.memory_space<vmem>>
      %dma_start3A_162 = arith.constant 0 : i32
      %dma_start3A_163 = tpu.memref_slice %arg3[%squeeze3A_148, %dma_start3A_162] : memref<507904x128xf32, #tpu.memory_space<hbm>> -> memref<1x128xf32, #tpu.memory_space<hbm>>
      %dma_start3A_164 = tpu.memref_squeeze %dma_start3A_163 : memref<1x128xf32, #tpu.memory_space<hbm>> -> memref<128xf32, #tpu.memory_space<hbm>>
      tpu.enqueue_dma source(%dma_start3A_164 : memref<128xf32, #tpu.memory_space<hbm>>) target(%dma_start3A_161 : memref<128xf32, #tpu.memory_space<vmem>>) target_semaphore(%arg7 : memref<!tpu.dma_semaphore, #tpu.memory_space<semaphore_mem>>)
      %slice3A_165 = vector.extract_strided_slice %select_n3A {offsets = [8], sizes = [1], strides = [1]} : vector<16xi32> to vector<1xi32>
      %squeeze3A_166 = vector.extract %slice3A_165[0] : i32 from vector<1xi32>
      %mul3A_167 = arith.constant 16 : i32
      %mul3A_168 = arith.muli %scan3A_14, %mul3A_167 : i32
      %add3A_169 = arith.constant 8 : i32
      %add3A_170 = arith.addi %mul3A_168, %add3A_169 : i32
      %dma_start3A_171 = arith.constant 0 : i32
      %dma_start3A_172 = tpu.memref_slice %arg6[%add3A_170, %dma_start3A_171] : memref<512x128xf32, #tpu.memory_space<vmem>> -> memref<1x128xf32, #tpu.memory_space<vmem>>
      %dma_start3A_173 = tpu.memref_squeeze %dma_start3A_172 : memref<1x128xf32, #tpu.memory_space<vmem>> -> memref<128xf32, #tpu.memory_space<vmem>>
      %dma_start3A_174 = arith.constant 0 : i32
      %dma_start3A_175 = tpu.memref_slice %arg3[%squeeze3A_166, %dma_start3A_174] : memref<507904x128xf32, #tpu.memory_space<hbm>> -> memref<1x128xf32, #tpu.memory_space<hbm>>
      %dma_start3A_176 = tpu.memref_squeeze %dma_start3A_175 : memref<1x128xf32, #tpu.memory_space<hbm>> -> memref<128xf32, #tpu.memory_space<hbm>>
      %dma_start3A_177 = arith.constant 0 : i32
      %dma_start3A_178 = tpu.memref_slice %arg6[%add3A_170, %dma_start3A_177] : memref<512x128xf32, #tpu.memory_space<vmem>> -> memref<1x128xf32, #tpu.memory_space<vmem>>
      %dma_start3A_179 = tpu.memref_squeeze %dma_start3A_178 : memref<1x128xf32, #tpu.memory_space<vmem>> -> memref<128xf32, #tpu.memory_space<vmem>>
      %dma_start3A_180 = arith.constant 0 : i32
      %dma_start3A_181 = tpu.memref_slice %arg3[%squeeze3A_166, %dma_start3A_180] : memref<507904x128xf32, #tpu.memory_space<hbm>> -> memref<1x128xf32, #tpu.memory_space<hbm>>
      %dma_start3A_182 = tpu.memref_squeeze %dma_start3A_181 : memref<1x128xf32, #tpu.memory_space<hbm>> -> memref<128xf32, #tpu.memory_space<hbm>>
      tpu.enqueue_dma source(%dma_start3A_182 : memref<128xf32, #tpu.memory_space<hbm>>) target(%dma_start3A_179 : memref<128xf32, #tpu.memory_space<vmem>>) target_semaphore(%arg7 : memref<!tpu.dma_semaphore, #tpu.memory_space<semaphore_mem>>)
      %slice3A_183 = vector.extract_strided_slice %select_n3A {offsets = [9], sizes = [1], strides = [1]} : vector<16xi32> to vector<1xi32>
      %squeeze3A_184 = vector.extract %slice3A_183[0] : i32 from vector<1xi32>
      %mul3A_185 = arith.constant 16 : i32
      %mul3A_186 = arith.muli %scan3A_14, %mul3A_185 : i32
      %add3A_187 = arith.constant 9 : i32
      %add3A_188 = arith.addi %mul3A_186, %add3A_187 : i32
      %dma_start3A_189 = arith.constant 0 : i32
      %dma_start3A_190 = tpu.memref_slice %arg6[%add3A_188, %dma_start3A_189] : memref<512x128xf32, #tpu.memory_space<vmem>> -> memref<1x128xf32, #tpu.memory_space<vmem>>
      %dma_start3A_191 = tpu.memref_squeeze %dma_start3A_190 : memref<1x128xf32, #tpu.memory_space<vmem>> -> memref<128xf32, #tpu.memory_space<vmem>>
      %dma_start3A_192 = arith.constant 0 : i32
      %dma_start3A_193 = tpu.memref_slice %arg3[%squeeze3A_184, %dma_start3A_192] : memref<507904x128xf32, #tpu.memory_space<hbm>> -> memref<1x128xf32, #tpu.memory_space<hbm>>
      %dma_start3A_194 = tpu.memref_squeeze %dma_start3A_193 : memref<1x128xf32, #tpu.memory_space<hbm>> -> memref<128xf32, #tpu.memory_space<hbm>>
      %dma_start3A_195 = arith.constant 0 : i32
      %dma_start3A_196 = tpu.memref_slice %arg6[%add3A_188, %dma_start3A_195] : memref<512x128xf32, #tpu.memory_space<vmem>> -> memref<1x128xf32, #tpu.memory_space<vmem>>
      %dma_start3A_197 = tpu.memref_squeeze %dma_start3A_196 : memref<1x128xf32, #tpu.memory_space<vmem>> -> memref<128xf32, #tpu.memory_space<vmem>>
      %dma_start3A_198 = arith.constant 0 : i32
      %dma_start3A_199 = tpu.memref_slice %arg3[%squeeze3A_184, %dma_start3A_198] : memref<507904x128xf32, #tpu.memory_space<hbm>> -> memref<1x128xf32, #tpu.memory_space<hbm>>
      %dma_start3A_200 = tpu.memref_squeeze %dma_start3A_199 : memref<1x128xf32, #tpu.memory_space<hbm>> -> memref<128xf32, #tpu.memory_space<hbm>>
      tpu.enqueue_dma source(%dma_start3A_200 : memref<128xf32, #tpu.memory_space<hbm>>) target(%dma_start3A_197 : memref<128xf32, #tpu.memory_space<vmem>>) target_semaphore(%arg7 : memref<!tpu.dma_semaphore, #tpu.memory_space<semaphore_mem>>)
      %slice3A_201 = vector.extract_strided_slice %select_n3A {offsets = [10], sizes = [1], strides = [1]} : vector<16xi32> to vector<1xi32>
      %squeeze3A_202 = vector.extract %slice3A_201[0] : i32 from vector<1xi32>
      %mul3A_203 = arith.constant 16 : i32
      %mul3A_204 = arith.muli %scan3A_14, %mul3A_203 : i32
      %add3A_205 = arith.constant 10 : i32
      %add3A_206 = arith.addi %mul3A_204, %add3A_205 : i32
      %dma_start3A_207 = arith.constant 0 : i32
      %dma_start3A_208 = tpu.memref_slice %arg6[%add3A_206, %dma_start3A_207] : memref<512x128xf32, #tpu.memory_space<vmem>> -> memref<1x128xf32, #tpu.memory_space<vmem>>
      %dma_start3A_209 = tpu.memref_squeeze %dma_start3A_208 : memref<1x128xf32, #tpu.memory_space<vmem>> -> memref<128xf32, #tpu.memory_space<vmem>>
      %dma_start3A_210 = arith.constant 0 : i32
      %dma_start3A_211 = tpu.memref_slice %arg3[%squeeze3A_202, %dma_start3A_210] : memref<507904x128xf32, #tpu.memory_space<hbm>> -> memref<1x128xf32, #tpu.memory_space<hbm>>
      %dma_start3A_212 = tpu.memref_squeeze %dma_start3A_211 : memref<1x128xf32, #tpu.memory_space<hbm>> -> memref<128xf32, #tpu.memory_space<hbm>>
      %dma_start3A_213 = arith.constant 0 : i32
      %dma_start3A_214 = tpu.memref_slice %arg6[%add3A_206, %dma_start3A_213] : memref<512x128xf32, #tpu.memory_space<vmem>> -> memref<1x128xf32, #tpu.memory_space<vmem>>
      %dma_start3A_215 = tpu.memref_squeeze %dma_start3A_214 : memref<1x128xf32, #tpu.memory_space<vmem>> -> memref<128xf32, #tpu.memory_space<vmem>>
      %dma_start3A_216 = arith.constant 0 : i32
      %dma_start3A_217 = tpu.memref_slice %arg3[%squeeze3A_202, %dma_start3A_216] : memref<507904x128xf32, #tpu.memory_space<hbm>> -> memref<1x128xf32, #tpu.memory_space<hbm>>
      %dma_start3A_218 = tpu.memref_squeeze %dma_start3A_217 : memref<1x128xf32, #tpu.memory_space<hbm>> -> memref<128xf32, #tpu.memory_space<hbm>>
      tpu.enqueue_dma source(%dma_start3A_218 : memref<128xf32, #tpu.memory_space<hbm>>) target(%dma_start3A_215 : memref<128xf32, #tpu.memory_space<vmem>>) target_semaphore(%arg7 : memref<!tpu.dma_semaphore, #tpu.memory_space<semaphore_mem>>)
      %slice3A_219 = vector.extract_strided_slice %select_n3A {offsets = [11], sizes = [1], strides = [1]} : vector<16xi32> to vector<1xi32>
      %squeeze3A_220 = vector.extract %slice3A_219[0] : i32 from vector<1xi32>
      %mul3A_221 = arith.constant 16 : i32
      %mul3A_222 = arith.muli %scan3A_14, %mul3A_221 : i32
      %add3A_223 = arith.constant 11 : i32
      %add3A_224 = arith.addi %mul3A_222, %add3A_223 : i32
      %dma_start3A_225 = arith.constant 0 : i32
      %dma_start3A_226 = tpu.memref_slice %arg6[%add3A_224, %dma_start3A_225] : memref<512x128xf32, #tpu.memory_space<vmem>> -> memref<1x128xf32, #tpu.memory_space<vmem>>
      %dma_start3A_227 = tpu.memref_squeeze %dma_start3A_226 : memref<1x128xf32, #tpu.memory_space<vmem>> -> memref<128xf32, #tpu.memory_space<vmem>>
      %dma_start3A_228 = arith.constant 0 : i32
      %dma_start3A_229 = tpu.memref_slice %arg3[%squeeze3A_220, %dma_start3A_228] : memref<507904x128xf32, #tpu.memory_space<hbm>> -> memref<1x128xf32, #tpu.memory_space<hbm>>
      %dma_start3A_230 = tpu.memref_squeeze %dma_start3A_229 : memref<1x128xf32, #tpu.memory_space<hbm>> -> memref<128xf32, #tpu.memory_space<hbm>>
      %dma_start3A_231 = arith.constant 0 : i32
      %dma_start3A_232 = tpu.memref_slice %arg6[%add3A_224, %dma_start3A_231] : memref<512x128xf32, #tpu.memory_space<vmem>> -> memref<1x128xf32, #tpu.memory_space<vmem>>
      %dma_start3A_233 = tpu.memref_squeeze %dma_start3A_232 : memref<1x128xf32, #tpu.memory_space<vmem>> -> memref<128xf32, #tpu.memory_space<vmem>>
      %dma_start3A_234 = arith.constant 0 : i32
      %dma_start3A_235 = tpu.memref_slice %arg3[%squeeze3A_220, %dma_start3A_234] : memref<507904x128xf32, #tpu.memory_space<hbm>> -> memref<1x128xf32, #tpu.memory_space<hbm>>
      %dma_start3A_236 = tpu.memref_squeeze %dma_start3A_235 : memref<1x128xf32, #tpu.memory_space<hbm>> -> memref<128xf32, #tpu.memory_space<hbm>>
      tpu.enqueue_dma source(%dma_start3A_236 : memref<128xf32, #tpu.memory_space<hbm>>) target(%dma_start3A_233 : memref<128xf32, #tpu.memory_space<vmem>>) target_semaphore(%arg7 : memref<!tpu.dma_semaphore, #tpu.memory_space<semaphore_mem>>)
      %slice3A_237 = vector.extract_strided_slice %select_n3A {offsets = [12], sizes = [1], strides = [1]} : vector<16xi32> to vector<1xi32>
      %squeeze3A_238 = vector.extract %slice3A_237[0] : i32 from vector<1xi32>
      %mul3A_239 = arith.constant 16 : i32
      %mul3A_240 = arith.muli %scan3A_14, %mul3A_239 : i32
      %add3A_241 = arith.constant 12 : i32
      %add3A_242 = arith.addi %mul3A_240, %add3A_241 : i32
      %dma_start3A_243 = arith.constant 0 : i32
      %dma_start3A_244 = tpu.memref_slice %arg6[%add3A_242, %dma_start3A_243] : memref<512x128xf32, #tpu.memory_space<vmem>> -> memref<1x128xf32, #tpu.memory_space<vmem>>
      %dma_start3A_245 = tpu.memref_squeeze %dma_start3A_244 : memref<1x128xf32, #tpu.memory_space<vmem>> -> memref<128xf32, #tpu.memory_space<vmem>>
      %dma_start3A_246 = arith.constant 0 : i32
      %dma_start3A_247 = tpu.memref_slice %arg3[%squeeze3A_238, %dma_start3A_246] : memref<507904x128xf32, #tpu.memory_space<hbm>> -> memref<1x128xf32, #tpu.memory_space<hbm>>
      %dma_start3A_248 = tpu.memref_squeeze %dma_start3A_247 : memref<1x128xf32, #tpu.memory_space<hbm>> -> memref<128xf32, #tpu.memory_space<hbm>>
      %dma_start3A_249 = arith.constant 0 : i32
      %dma_start3A_250 = tpu.memref_slice %arg6[%add3A_242, %dma_start3A_249] : memref<512x128xf32, #tpu.memory_space<vmem>> -> memref<1x128xf32, #tpu.memory_space<vmem>>
      %dma_start3A_251 = tpu.memref_squeeze %dma_start3A_250 : memref<1x128xf32, #tpu.memory_space<vmem>> -> memref<128xf32, #tpu.memory_space<vmem>>
      %dma_start3A_252 = arith.constant 0 : i32
      %dma_start3A_253 = tpu.memref_slice %arg3[%squeeze3A_238, %dma_start3A_252] : memref<507904x128xf32, #tpu.memory_space<hbm>> -> memref<1x128xf32, #tpu.memory_space<hbm>>
      %dma_start3A_254 = tpu.memref_squeeze %dma_start3A_253 : memref<1x128xf32, #tpu.memory_space<hbm>> -> memref<128xf32, #tpu.memory_space<hbm>>
      tpu.enqueue_dma source(%dma_start3A_254 : memref<128xf32, #tpu.memory_space<hbm>>) target(%dma_start3A_251 : memref<128xf32, #tpu.memory_space<vmem>>) target_semaphore(%arg7 : memref<!tpu.dma_semaphore, #tpu.memory_space<semaphore_mem>>)
      %slice3A_255 = vector.extract_strided_slice %select_n3A {offsets = [13], sizes = [1], strides = [1]} : vector<16xi32> to vector<1xi32>
      %squeeze3A_256 = vector.extract %slice3A_255[0] : i32 from vector<1xi32>
      %mul3A_257 = arith.constant 16 : i32
      %mul3A_258 = arith.muli %scan3A_14, %mul3A_257 : i32
      %add3A_259 = arith.constant 13 : i32
      %add3A_260 = arith.addi %mul3A_258, %add3A_259 : i32
      %dma_start3A_261 = arith.constant 0 : i32
      %dma_start3A_262 = tpu.memref_slice %arg6[%add3A_260, %dma_start3A_261] : memref<512x128xf32, #tpu.memory_space<vmem>> -> memref<1x128xf32, #tpu.memory_space<vmem>>
      %dma_start3A_263 = tpu.memref_squeeze %dma_start3A_262 : memref<1x128xf32, #tpu.memory_space<vmem>> -> memref<128xf32, #tpu.memory_space<vmem>>
      %dma_start3A_264 = arith.constant 0 : i32
      %dma_start3A_265 = tpu.memref_slice %arg3[%squeeze3A_256, %dma_start3A_264] : memref<507904x128xf32, #tpu.memory_space<hbm>> -> memref<1x128xf32, #tpu.memory_space<hbm>>
      %dma_start3A_266 = tpu.memref_squeeze %dma_start3A_265 : memref<1x128xf32, #tpu.memory_space<hbm>> -> memref<128xf32, #tpu.memory_space<hbm>>
      %dma_start3A_267 = arith.constant 0 : i32
      %dma_start3A_268 = tpu.memref_slice %arg6[%add3A_260, %dma_start3A_267] : memref<512x128xf32, #tpu.memory_space<vmem>> -> memref<1x128xf32, #tpu.memory_space<vmem>>
      %dma_start3A_269 = tpu.memref_squeeze %dma_start3A_268 : memref<1x128xf32, #tpu.memory_space<vmem>> -> memref<128xf32, #tpu.memory_space<vmem>>
      %dma_start3A_270 = arith.constant 0 : i32
      %dma_start3A_271 = tpu.memref_slice %arg3[%squeeze3A_256, %dma_start3A_270] : memref<507904x128xf32, #tpu.memory_space<hbm>> -> memref<1x128xf32, #tpu.memory_space<hbm>>
      %dma_start3A_272 = tpu.memref_squeeze %dma_start3A_271 : memref<1x128xf32, #tpu.memory_space<hbm>> -> memref<128xf32, #tpu.memory_space<hbm>>
      tpu.enqueue_dma source(%dma_start3A_272 : memref<128xf32, #tpu.memory_space<hbm>>) target(%dma_start3A_269 : memref<128xf32, #tpu.memory_space<vmem>>) target_semaphore(%arg7 : memref<!tpu.dma_semaphore, #tpu.memory_space<semaphore_mem>>)
      %slice3A_273 = vector.extract_strided_slice %select_n3A {offsets = [14], sizes = [1], strides = [1]} : vector<16xi32> to vector<1xi32>
      %squeeze3A_274 = vector.extract %slice3A_273[0] : i32 from vector<1xi32>
      %mul3A_275 = arith.constant 16 : i32
      %mul3A_276 = arith.muli %scan3A_14, %mul3A_275 : i32
      %add3A_277 = arith.constant 14 : i32
      %add3A_278 = arith.addi %mul3A_276, %add3A_277 : i32
      %dma_start3A_279 = arith.constant 0 : i32
      %dma_start3A_280 = tpu.memref_slice %arg6[%add3A_278, %dma_start3A_279] : memref<512x128xf32, #tpu.memory_space<vmem>> -> memref<1x128xf32, #tpu.memory_space<vmem>>
      %dma_start3A_281 = tpu.memref_squeeze %dma_start3A_280 : memref<1x128xf32, #tpu.memory_space<vmem>> -> memref<128xf32, #tpu.memory_space<vmem>>
      %dma_start3A_282 = arith.constant 0 : i32
      %dma_start3A_283 = tpu.memref_slice %arg3[%squeeze3A_274, %dma_start3A_282] : memref<507904x128xf32, #tpu.memory_space<hbm>> -> memref<1x128xf32, #tpu.memory_space<hbm>>
      %dma_start3A_284 = tpu.memref_squeeze %dma_start3A_283 : memref<1x128xf32, #tpu.memory_space<hbm>> -> memref<128xf32, #tpu.memory_space<hbm>>
      %dma_start3A_285 = arith.constant 0 : i32
      %dma_start3A_286 = tpu.memref_slice %arg6[%add3A_278, %dma_start3A_285] : memref<512x128xf32, #tpu.memory_space<vmem>> -> memref<1x128xf32, #tpu.memory_space<vmem>>
      %dma_start3A_287 = tpu.memref_squeeze %dma_start3A_286 : memref<1x128xf32, #tpu.memory_space<vmem>> -> memref<128xf32, #tpu.memory_space<vmem>>
      %dma_start3A_288 = arith.constant 0 : i32
      %dma_start3A_289 = tpu.memref_slice %arg3[%squeeze3A_274, %dma_start3A_288] : memref<507904x128xf32, #tpu.memory_space<hbm>> -> memref<1x128xf32, #tpu.memory_space<hbm>>
      %dma_start3A_290 = tpu.memref_squeeze %dma_start3A_289 : memref<1x128xf32, #tpu.memory_space<hbm>> -> memref<128xf32, #tpu.memory_space<hbm>>
      tpu.enqueue_dma source(%dma_start3A_290 : memref<128xf32, #tpu.memory_space<hbm>>) target(%dma_start3A_287 : memref<128xf32, #tpu.memory_space<vmem>>) target_semaphore(%arg7 : memref<!tpu.dma_semaphore, #tpu.memory_space<semaphore_mem>>)
      %slice3A_291 = vector.extract_strided_slice %select_n3A {offsets = [15], sizes = [1], strides = [1]} : vector<16xi32> to vector<1xi32>
      %squeeze3A_292 = vector.extract %slice3A_291[0] : i32 from vector<1xi32>
      %mul3A_293 = arith.constant 16 : i32
      %mul3A_294 = arith.muli %scan3A_14, %mul3A_293 : i32
      %add3A_295 = arith.constant 15 : i32
      %add3A_296 = arith.addi %mul3A_294, %add3A_295 : i32
      %dma_start3A_297 = arith.constant 0 : i32
      %dma_start3A_298 = tpu.memref_slice %arg6[%add3A_296, %dma_start3A_297] : memref<512x128xf32, #tpu.memory_space<vmem>> -> memref<1x128xf32, #tpu.memory_space<vmem>>
      %dma_start3A_299 = tpu.memref_squeeze %dma_start3A_298 : memref<1x128xf32, #tpu.memory_space<vmem>> -> memref<128xf32, #tpu.memory_space<vmem>>
      %dma_start3A_300 = arith.constant 0 : i32
      %dma_start3A_301 = tpu.memref_slice %arg3[%squeeze3A_292, %dma_start3A_300] : memref<507904x128xf32, #tpu.memory_space<hbm>> -> memref<1x128xf32, #tpu.memory_space<hbm>>
      %dma_start3A_302 = tpu.memref_squeeze %dma_start3A_301 : memref<1x128xf32, #tpu.memory_space<hbm>> -> memref<128xf32, #tpu.memory_space<hbm>>
      %dma_start3A_303 = arith.constant 0 : i32
      %dma_start3A_304 = tpu.memref_slice %arg6[%add3A_296, %dma_start3A_303] : memref<512x128xf32, #tpu.memory_space<vmem>> -> memref<1x128xf32, #tpu.memory_space<vmem>>
      %dma_start3A_305 = tpu.memref_squeeze %dma_start3A_304 : memref<1x128xf32, #tpu.memory_space<vmem>> -> memref<128xf32, #tpu.memory_space<vmem>>
      %dma_start3A_306 = arith.constant 0 : i32
      %dma_start3A_307 = tpu.memref_slice %arg3[%squeeze3A_292, %dma_start3A_306] : memref<507904x128xf32, #tpu.memory_space<hbm>> -> memref<1x128xf32, #tpu.memory_space<hbm>>
      %dma_start3A_308 = tpu.memref_squeeze %dma_start3A_307 : memref<1x128xf32, #tpu.memory_space<hbm>> -> memref<128xf32, #tpu.memory_space<hbm>>
      tpu.enqueue_dma source(%dma_start3A_308 : memref<128xf32, #tpu.memory_space<hbm>>) target(%dma_start3A_305 : memref<128xf32, #tpu.memory_space<vmem>>) target_semaphore(%arg7 : memref<!tpu.dma_semaphore, #tpu.memory_space<semaphore_mem>>)
      %scan3A_309 = arith.constant 0 : i32
      scf.yield %scan3A_309 : i32
    }
    %scan3A_8 = arith.constant 32 : i32
    %dma_wait3A = arith.constant 0 : i32
    %dma_wait3A_9 = arith.constant 0 : i32
    %dma_wait3A_10 = tpu.memref_slice %arg4[%dma_wait3A, %dma_wait3A_9] : memref<16384x128xf32, #tpu.memory_space<hbm>> -> memref<512x128xf32, #tpu.memory_space<hbm>>
    %dma_wait3A_11 = arith.constant 0 : i32
    %dma_wait3A_12 = arith.constant 0 : i32
    %dma_wait3A_13 = tpu.memref_slice %arg4[%dma_wait3A_11, %dma_wait3A_12] : memref<16384x128xf32, #tpu.memory_space<hbm>> -> memref<512x128xf32, #tpu.memory_space<hbm>>
    tpu.wait_dma2 semaphore(%arg7 : memref<!tpu.dma_semaphore, #tpu.memory_space<semaphore_mem>>) src(%dma_wait3A_13 : memref<512x128xf32, #tpu.memory_space<hbm>>) dst(%arg6 : memref<512x128xf32, #tpu.memory_space<vmem>>)
    "tpu.region"() ({
      %run_scoped3A = tpu.sem_alloc : memref<!tpu.dma_semaphore, #tpu.memory_space<semaphore_mem>>
      %dma_start3A = arith.constant 0 : i32
      %dma_start3A_14 = tpu.memref_slice %arg4[%mul3A_2, %dma_start3A] : memref<16384x128xf32, #tpu.memory_space<hbm>> -> memref<512x128xf32, #tpu.memory_space<hbm>>
      %dma_start3A_15 = arith.constant 0 : i32
      %dma_start3A_16 = tpu.memref_slice %arg4[%mul3A_2, %dma_start3A_15] : memref<16384x128xf32, #tpu.memory_space<hbm>> -> memref<512x128xf32, #tpu.memory_space<hbm>>
      tpu.enqueue_dma source(%arg6 : memref<512x128xf32, #tpu.memory_space<vmem>>) target(%dma_start3A_16 : memref<512x128xf32, #tpu.memory_space<hbm>>) target_semaphore(%run_scoped3A : memref<!tpu.dma_semaphore, #tpu.memory_space<semaphore_mem>>)
      %dma_wait3A_17 = arith.constant 0 : i32
      %dma_wait3A_18 = tpu.memref_slice %arg4[%mul3A_2, %dma_wait3A_17] : memref<16384x128xf32, #tpu.memory_space<hbm>> -> memref<512x128xf32, #tpu.memory_space<hbm>>
      %dma_wait3A_19 = arith.constant 0 : i32
      %dma_wait3A_20 = tpu.memref_slice %arg4[%mul3A_2, %dma_wait3A_19] : memref<16384x128xf32, #tpu.memory_space<hbm>> -> memref<512x128xf32, #tpu.memory_space<hbm>>
      tpu.wait_dma2 semaphore(%run_scoped3A : memref<!tpu.dma_semaphore, #tpu.memory_space<semaphore_mem>>) src(%arg6 : memref<512x128xf32, #tpu.memory_space<vmem>>) dst(%dma_wait3A_20 : memref<512x128xf32, #tpu.memory_space<hbm>>)
      tpu.yield
    }) : () -> ()
    return
  }
}

#map = affine_map<(d0, d1) -> (0)>
#map1 = affine_map<(d0, d1) -> (0, 0)>
module attributes {stable_mosaic.version = 14 : i64} {
  func.func @_sc_gather(%arg0: i32, %arg1: i32, %arg2: memref<16384xi32, #tpu.memory_space<hbm>>, %arg3: memref<507904x128xf32, #tpu.memory_space<hbm>>, %arg4: memref<16384x128xf32, #tpu.memory_space<hbm>>, %arg5: memref<512xi32, #tpu.memory_space<vmem>>, %arg6: memref<512x128xf32, #tpu.memory_space<vmem>>, %arg7: memref<!tpu.dma_semaphore, #tpu.memory_space<semaphore_mem>>) attributes {dimension_semantics = [#tpu.dimension_semantics<core_parallel>, #tpu.dimension_semantics<subcore_parallel>], iteration_bounds = array<i64: 2, 16>, scalar_prefetch = 0 : i64, scratch_operands = 3 : i64, tpu.core_type = #tpu.core_type<sc_vector_subcore>, window_params = [{transform_indices = #map}, {transform_indices = #map1}, {transform_indices = #map1}]} {
    %mul3A = arith.constant 2 : i32
    %mul3A_0 = arith.muli %arg1, %mul3A : i32
    %add3A = arith.addi %mul3A_0, %arg0 : i32
    %mul3A_1 = arith.constant 512 : i32
    %mul3A_2 = arith.muli %add3A, %mul3A_1 : i32
    "tpu.region"() ({
      %run_scoped3A = tpu.sem_alloc : memref<!tpu.dma_semaphore, #tpu.memory_space<semaphore_mem>>
      %dma_start3A = tpu.memref_slice %arg2[%mul3A_2] : memref<16384xi32, #tpu.memory_space<hbm>> -> memref<512xi32, #tpu.memory_space<hbm>>
      %dma_start3A_14 = tpu.memref_slice %arg2[%mul3A_2] : memref<16384xi32, #tpu.memory_space<hbm>> -> memref<512xi32, #tpu.memory_space<hbm>>
      tpu.enqueue_dma source(%dma_start3A_14 : memref<512xi32, #tpu.memory_space<hbm>>) target(%arg5 : memref<512xi32, #tpu.memory_space<vmem>>) target_semaphore(%run_scoped3A : memref<!tpu.dma_semaphore, #tpu.memory_space<semaphore_mem>>)
      %dma_wait3A_15 = tpu.memref_slice %arg2[%mul3A_2] : memref<16384xi32, #tpu.memory_space<hbm>> -> memref<512xi32, #tpu.memory_space<hbm>>
      %dma_wait3A_16 = tpu.memref_slice %arg2[%mul3A_2] : memref<16384xi32, #tpu.memory_space<hbm>> -> memref<512xi32, #tpu.memory_space<hbm>>
      tpu.wait_dma2 semaphore(%run_scoped3A : memref<!tpu.dma_semaphore, #tpu.memory_space<semaphore_mem>>) src(%dma_wait3A_16 : memref<512xi32, #tpu.memory_space<hbm>>) dst(%arg5 : memref<512xi32, #tpu.memory_space<vmem>>)
      tpu.yield
    }) : () -> ()
    %scan3A = arith.constant 0 : i32
    %scan3A_3 = arith.constant 0 : i32
    %scan3A_4 = arith.constant 32 : i32
    %scan3A_5 = arith.addi %scan3A_3, %scan3A_4 : i32
    %scan3A_6 = arith.constant 1 : i32
    %scan3A_7 = scf.for %scan3A_14 = %scan3A_3 to %scan3A_5 step %scan3A_6 iter_args(%scan3A_15 = %scan3A) -> (i32)  : i32 {
      %mul3A_16 = arith.constant 16 : i32
      %mul3A_17 = arith.muli %scan3A_14, %mul3A_16 : i32
      %get3A = arith.index_cast %mul3A_17 : i32 to index
      %get3A_18 = tpu.vector_load %arg5[%get3A] {strides = array<i32>} : memref<512xi32, #tpu.memory_space<vmem>>, vector<16xi32>,
      %get3A_19 = vector.shape_cast %get3A_18 : vector<16xi32> to vector<16xi32>
      %ge3A = arith.constant 507904 : i32
      %ge3A_20 = vector.broadcast %ge3A : i32 to vector<16xi32>
      %ge3A_21 = arith.cmpi sge, %get3A_19, %ge3A_20 : vector<16xi32>
      %sub3A = arith.constant 507904 : i32
      %sub3A_22 = vector.broadcast %sub3A : i32 to vector<16xi32>
      %sub3A_23 = arith.subi %get3A_19, %sub3A_22 : vector<16xi32>
      %select_n3A = arith.select %ge3A_21, %sub3A_23, %get3A_19 : vector<16xi1>, vector<16xi32>
      %slice3A = vector.extract_strided_slice %select_n3A {offsets = [0], sizes = [1], strides = [1]} : vector<16xi32> to vector<1xi32>
      %squeeze3A = vector.extract %slice3A[0] : i32 from vector<1xi32>
      %mul3A_24 = arith.constant 16 : i32
      %mul3A_25 = arith.muli %scan3A_14, %mul3A_24 : i32
      %add3A_26 = arith.constant 0 : i32
      %add3A_27 = arith.addi %mul3A_25, %add3A_26 : i32
      %dma_start3A = arith.constant 0 : i32
      %dma_start3A_28 = tpu.memref_slice %arg6[%add3A_27, %dma_start3A] : memref<512x128xf32, #tpu.memory_space<vmem>> -> memref<1x128xf32, #tpu.memory_space<vmem>>
      %dma_start3A_29 = tpu.memref_squeeze %dma_start3A_28 : memref<1x128xf32, #tpu.memory_space<vmem>> -> memref<128xf32, #tpu.memory_space<vmem>>
      %dma_start3A_30 = arith.constant 0 : i32
      %dma_start3A_31 = tpu.memref_slice %arg3[%squeeze3A, %dma_start3A_30] : memref<507904x128xf32, #tpu.memory_space<hbm>> -> memref<1x128xf32, #tpu.memory_space<hbm>>
      %dma_start3A_32 = tpu.memref_squeeze %dma_start3A_31 : memref<1x128xf32, #tpu.memory_space<hbm>> -> memref<128xf32, #tpu.memory_space<hbm>>
      %dma_start3A_33 = arith.constant 0 : i32
      %dma_start3A_34 = tpu.memref_slice %arg6[%add3A_27, %dma_start3A_33] : memref<512x128xf32, #tpu.memory_space<vmem>> -> memref<1x128xf32, #tpu.memory_space<vmem>>
      %dma_start3A_35 = tpu.memref_squeeze %dma_start3A_34 : memref<1x128xf32, #tpu.memory_space<vmem>> -> memref<128xf32, #tpu.memory_space<vmem>>
      %dma_start3A_36 = arith.constant 0 : i32
      %dma_start3A_37 = tpu.memref_slice %arg3[%squeeze3A, %dma_start3A_36] : memref<507904x128xf32, #tpu.memory_space<hbm>> -> memref<1x128xf32, #tpu.memory_space<hbm>>
      %dma_start3A_38 = tpu.memref_squeeze %dma_start3A_37 : memref<1x128xf32, #tpu.memory_space<hbm>> -> memref<128xf32, #tpu.memory_space<hbm>>
      tpu.enqueue_dma source(%dma_start3A_38 : memref<128xf32, #tpu.memory_space<hbm>>) target(%dma_start3A_35 : memref<128xf32, #tpu.memory_space<vmem>>) target_semaphore(%arg7 : memref<!tpu.dma_semaphore, #tpu.memory_space<semaphore_mem>>)
      %slice3A_39 = vector.extract_strided_slice %select_n3A {offsets = [1], sizes = [1], strides = [1]} : vector<16xi32> to vector<1xi32>
      %squeeze3A_40 = vector.extract %slice3A_39[0] : i32 from vector<1xi32>
      %mul3A_41 = arith.constant 16 : i32
      %mul3A_42 = arith.muli %scan3A_14, %mul3A_41 : i32
      %add3A_43 = arith.constant 1 : i32
      %add3A_44 = arith.addi %mul3A_42, %add3A_43 : i32
      %dma_start3A_45 = arith.constant 0 : i32
      %dma_start3A_46 = tpu.memref_slice %arg6[%add3A_44, %dma_start3A_45] : memref<512x128xf32, #tpu.memory_space<vmem>> -> memref<1x128xf32, #tpu.memory_space<vmem>>
      %dma_start3A_47 = tpu.memref_squeeze %dma_start3A_46 : memref<1x128xf32, #tpu.memory_space<vmem>> -> memref<128xf32, #tpu.memory_space<vmem>>
      %dma_start3A_48 = arith.constant 0 : i32
      %dma_start3A_49 = tpu.memref_slice %arg3[%squeeze3A_40, %dma_start3A_48] : memref<507904x128xf32, #tpu.memory_space<hbm>> -> memref<1x128xf32, #tpu.memory_space<hbm>>
      %dma_start3A_50 = tpu.memref_squeeze %dma_start3A_49 : memref<1x128xf32, #tpu.memory_space<hbm>> -> memref<128xf32, #tpu.memory_space<hbm>>
      %dma_start3A_51 = arith.constant 0 : i32
      %dma_start3A_52 = tpu.memref_slice %arg6[%add3A_44, %dma_start3A_51] : memref<512x128xf32, #tpu.memory_space<vmem>> -> memref<1x128xf32, #tpu.memory_space<vmem>>
      %dma_start3A_53 = tpu.memref_squeeze %dma_start3A_52 : memref<1x128xf32, #tpu.memory_space<vmem>> -> memref<128xf32, #tpu.memory_space<vmem>>
      %dma_start3A_54 = arith.constant 0 : i32
      %dma_start3A_55 = tpu.memref_slice %arg3[%squeeze3A_40, %dma_start3A_54] : memref<507904x128xf32, #tpu.memory_space<hbm>> -> memref<1x128xf32, #tpu.memory_space<hbm>>
      %dma_start3A_56 = tpu.memref_squeeze %dma_start3A_55 : memref<1x128xf32, #tpu.memory_space<hbm>> -> memref<128xf32, #tpu.memory_space<hbm>>
      tpu.enqueue_dma source(%dma_start3A_56 : memref<128xf32, #tpu.memory_space<hbm>>) target(%dma_start3A_53 : memref<128xf32, #tpu.memory_space<vmem>>) target_semaphore(%arg7 : memref<!tpu.dma_semaphore, #tpu.memory_space<semaphore_mem>>)
      %slice3A_57 = vector.extract_strided_slice %select_n3A {offsets = [2], sizes = [1], strides = [1]} : vector<16xi32> to vector<1xi32>
      %squeeze3A_58 = vector.extract %slice3A_57[0] : i32 from vector<1xi32>
      %mul3A_59 = arith.constant 16 : i32
      %mul3A_60 = arith.muli %scan3A_14, %mul3A_59 : i32
      %add3A_61 = arith.constant 2 : i32
      %add3A_62 = arith.addi %mul3A_60, %add3A_61 : i32
      %dma_start3A_63 = arith.constant 0 : i32
      %dma_start3A_64 = tpu.memref_slice %arg6[%add3A_62, %dma_start3A_63] : memref<512x128xf32, #tpu.memory_space<vmem>> -> memref<1x128xf32, #tpu.memory_space<vmem>>
      %dma_start3A_65 = tpu.memref_squeeze %dma_start3A_64 : memref<1x128xf32, #tpu.memory_space<vmem>> -> memref<128xf32, #tpu.memory_space<vmem>>
      %dma_start3A_66 = arith.constant 0 : i32
      %dma_start3A_67 = tpu.memref_slice %arg3[%squeeze3A_58, %dma_start3A_66] : memref<507904x128xf32, #tpu.memory_space<hbm>> -> memref<1x128xf32, #tpu.memory_space<hbm>>
      %dma_start3A_68 = tpu.memref_squeeze %dma_start3A_67 : memref<1x128xf32, #tpu.memory_space<hbm>> -> memref<128xf32, #tpu.memory_space<hbm>>
      %dma_start3A_69 = arith.constant 0 : i32
      %dma_start3A_70 = tpu.memref_slice %arg6[%add3A_62, %dma_start3A_69] : memref<512x128xf32, #tpu.memory_space<vmem>> -> memref<1x128xf32, #tpu.memory_space<vmem>>
      %dma_start3A_71 = tpu.memref_squeeze %dma_start3A_70 : memref<1x128xf32, #tpu.memory_space<vmem>> -> memref<128xf32, #tpu.memory_space<vmem>>
      %dma_start3A_72 = arith.constant 0 : i32
      %dma_start3A_73 = tpu.memref_slice %arg3[%squeeze3A_58, %dma_start3A_72] : memref<507904x128xf32, #tpu.memory_space<hbm>> -> memref<1x128xf32, #tpu.memory_space<hbm>>
      %dma_start3A_74 = tpu.memref_squeeze %dma_start3A_73 : memref<1x128xf32, #tpu.memory_space<hbm>> -> memref<128xf32, #tpu.memory_space<hbm>>
      tpu.enqueue_dma source(%dma_start3A_74 : memref<128xf32, #tpu.memory_space<hbm>>) target(%dma_start3A_71 : memref<128xf32, #tpu.memory_space<vmem>>) target_semaphore(%arg7 : memref<!tpu.dma_semaphore, #tpu.memory_space<semaphore_mem>>)
      %slice3A_75 = vector.extract_strided_slice %select_n3A {offsets = [3], sizes = [1], strides = [1]} : vector<16xi32> to vector<1xi32>
      %squeeze3A_76 = vector.extract %slice3A_75[0] : i32 from vector<1xi32>
      %mul3A_77 = arith.constant 16 : i32
      %mul3A_78 = arith.muli %scan3A_14, %mul3A_77 : i32
      %add3A_79 = arith.constant 3 : i32
      %add3A_80 = arith.addi %mul3A_78, %add3A_79 : i32
      %dma_start3A_81 = arith.constant 0 : i32
      %dma_start3A_82 = tpu.memref_slice %arg6[%add3A_80, %dma_start3A_81] : memref<512x128xf32, #tpu.memory_space<vmem>> -> memref<1x128xf32, #tpu.memory_space<vmem>>
      %dma_start3A_83 = tpu.memref_squeeze %dma_start3A_82 : memref<1x128xf32, #tpu.memory_space<vmem>> -> memref<128xf32, #tpu.memory_space<vmem>>
      %dma_start3A_84 = arith.constant 0 : i32
      %dma_start3A_85 = tpu.memref_slice %arg3[%squeeze3A_76, %dma_start3A_84] : memref<507904x128xf32, #tpu.memory_space<hbm>> -> memref<1x128xf32, #tpu.memory_space<hbm>>
      %dma_start3A_86 = tpu.memref_squeeze %dma_start3A_85 : memref<1x128xf32, #tpu.memory_space<hbm>> -> memref<128xf32, #tpu.memory_space<hbm>>
      %dma_start3A_87 = arith.constant 0 : i32
      %dma_start3A_88 = tpu.memref_slice %arg6[%add3A_80, %dma_start3A_87] : memref<512x128xf32, #tpu.memory_space<vmem>> -> memref<1x128xf32, #tpu.memory_space<vmem>>
      %dma_start3A_89 = tpu.memref_squeeze %dma_start3A_88 : memref<1x128xf32, #tpu.memory_space<vmem>> -> memref<128xf32, #tpu.memory_space<vmem>>
      %dma_start3A_90 = arith.constant 0 : i32
      %dma_start3A_91 = tpu.memref_slice %arg3[%squeeze3A_76, %dma_start3A_90] : memref<507904x128xf32, #tpu.memory_space<hbm>> -> memref<1x128xf32, #tpu.memory_space<hbm>>
      %dma_start3A_92 = tpu.memref_squeeze %dma_start3A_91 : memref<1x128xf32, #tpu.memory_space<hbm>> -> memref<128xf32, #tpu.memory_space<hbm>>
      tpu.enqueue_dma source(%dma_start3A_92 : memref<128xf32, #tpu.memory_space<hbm>>) target(%dma_start3A_89 : memref<128xf32, #tpu.memory_space<vmem>>) target_semaphore(%arg7 : memref<!tpu.dma_semaphore, #tpu.memory_space<semaphore_mem>>)
      %slice3A_93 = vector.extract_strided_slice %select_n3A {offsets = [4], sizes = [1], strides = [1]} : vector<16xi32> to vector<1xi32>
      %squeeze3A_94 = vector.extract %slice3A_93[0] : i32 from vector<1xi32>
      %mul3A_95 = arith.constant 16 : i32
      %mul3A_96 = arith.muli %scan3A_14, %mul3A_95 : i32
      %add3A_97 = arith.constant 4 : i32
      %add3A_98 = arith.addi %mul3A_96, %add3A_97 : i32
      %dma_start3A_99 = arith.constant 0 : i32
      %dma_start3A_100 = tpu.memref_slice %arg6[%add3A_98, %dma_start3A_99] : memref<512x128xf32, #tpu.memory_space<vmem>> -> memref<1x128xf32, #tpu.memory_space<vmem>>
      %dma_start3A_101 = tpu.memref_squeeze %dma_start3A_100 : memref<1x128xf32, #tpu.memory_space<vmem>> -> memref<128xf32, #tpu.memory_space<vmem>>
      %dma_start3A_102 = arith.constant 0 : i32
      %dma_start3A_103 = tpu.memref_slice %arg3[%squeeze3A_94, %dma_start3A_102] : memref<507904x128xf32, #tpu.memory_space<hbm>> -> memref<1x128xf32, #tpu.memory_space<hbm>>
      %dma_start3A_104 = tpu.memref_squeeze %dma_start3A_103 : memref<1x128xf32, #tpu.memory_space<hbm>> -> memref<128xf32, #tpu.memory_space<hbm>>
      %dma_start3A_105 = arith.constant 0 : i32
      %dma_start3A_106 = tpu.memref_slice %arg6[%add3A_98, %dma_start3A_105] : memref<512x128xf32, #tpu.memory_space<vmem>> -> memref<1x128xf32, #tpu.memory_space<vmem>>
      %dma_start3A_107 = tpu.memref_squeeze %dma_start3A_106 : memref<1x128xf32, #tpu.memory_space<vmem>> -> memref<128xf32, #tpu.memory_space<vmem>>
      %dma_start3A_108 = arith.constant 0 : i32
      %dma_start3A_109 = tpu.memref_slice %arg3[%squeeze3A_94, %dma_start3A_108] : memref<507904x128xf32, #tpu.memory_space<hbm>> -> memref<1x128xf32, #tpu.memory_space<hbm>>
      %dma_start3A_110 = tpu.memref_squeeze %dma_start3A_109 : memref<1x128xf32, #tpu.memory_space<hbm>> -> memref<128xf32, #tpu.memory_space<hbm>>
      tpu.enqueue_dma source(%dma_start3A_110 : memref<128xf32, #tpu.memory_space<hbm>>) target(%dma_start3A_107 : memref<128xf32, #tpu.memory_space<vmem>>) target_semaphore(%arg7 : memref<!tpu.dma_semaphore, #tpu.memory_space<semaphore_mem>>)
      %slice3A_111 = vector.extract_strided_slice %select_n3A {offsets = [5], sizes = [1], strides = [1]} : vector<16xi32> to vector<1xi32>
      %squeeze3A_112 = vector.extract %slice3A_111[0] : i32 from vector<1xi32>
      %mul3A_113 = arith.constant 16 : i32
      %mul3A_114 = arith.muli %scan3A_14, %mul3A_113 : i32
      %add3A_115 = arith.constant 5 : i32
      %add3A_116 = arith.addi %mul3A_114, %add3A_115 : i32
      %dma_start3A_117 = arith.constant 0 : i32
      %dma_start3A_118 = tpu.memref_slice %arg6[%add3A_116, %dma_start3A_117] : memref<512x128xf32, #tpu.memory_space<vmem>> -> memref<1x128xf32, #tpu.memory_space<vmem>>
      %dma_start3A_119 = tpu.memref_squeeze %dma_start3A_118 : memref<1x128xf32, #tpu.memory_space<vmem>> -> memref<128xf32, #tpu.memory_space<vmem>>
      %dma_start3A_120 = arith.constant 0 : i32
      %dma_start3A_121 = tpu.memref_slice %arg3[%squeeze3A_112, %dma_start3A_120] : memref<507904x128xf32, #tpu.memory_space<hbm>> -> memref<1x128xf32, #tpu.memory_space<hbm>>
      %dma_start3A_122 = tpu.memref_squeeze %dma_start3A_121 : memref<1x128xf32, #tpu.memory_space<hbm>> -> memref<128xf32, #tpu.memory_space<hbm>>
      %dma_start3A_123 = arith.constant 0 : i32
      %dma_start3A_124 = tpu.memref_slice %arg6[%add3A_116, %dma_start3A_123] : memref<512x128xf32, #tpu.memory_space<vmem>> -> memref<1x128xf32, #tpu.memory_space<vmem>>
      %dma_start3A_125 = tpu.memref_squeeze %dma_start3A_124 : memref<1x128xf32, #tpu.memory_space<vmem>> -> memref<128xf32, #tpu.memory_space<vmem>>
      %dma_start3A_126 = arith.constant 0 : i32
      %dma_start3A_127 = tpu.memref_slice %arg3[%squeeze3A_112, %dma_start3A_126] : memref<507904x128xf32, #tpu.memory_space<hbm>> -> memref<1x128xf32, #tpu.memory_space<hbm>>
      %dma_start3A_128 = tpu.memref_squeeze %dma_start3A_127 : memref<1x128xf32, #tpu.memory_space<hbm>> -> memref<128xf32, #tpu.memory_space<hbm>>
      tpu.enqueue_dma source(%dma_start3A_128 : memref<128xf32, #tpu.memory_space<hbm>>) target(%dma_start3A_125 : memref<128xf32, #tpu.memory_space<vmem>>) target_semaphore(%arg7 : memref<!tpu.dma_semaphore, #tpu.memory_space<semaphore_mem>>)
      %slice3A_129 = vector.extract_strided_slice %select_n3A {offsets = [6], sizes = [1], strides = [1]} : vector<16xi32> to vector<1xi32>
      %squeeze3A_130 = vector.extract %slice3A_129[0] : i32 from vector<1xi32>
      %mul3A_131 = arith.constant 16 : i32
      %mul3A_132 = arith.muli %scan3A_14, %mul3A_131 : i32
      %add3A_133 = arith.constant 6 : i32
      %add3A_134 = arith.addi %mul3A_132, %add3A_133 : i32
      %dma_start3A_135 = arith.constant 0 : i32
      %dma_start3A_136 = tpu.memref_slice %arg6[%add3A_134, %dma_start3A_135] : memref<512x128xf32, #tpu.memory_space<vmem>> -> memref<1x128xf32, #tpu.memory_space<vmem>>
      %dma_start3A_137 = tpu.memref_squeeze %dma_start3A_136 : memref<1x128xf32, #tpu.memory_space<vmem>> -> memref<128xf32, #tpu.memory_space<vmem>>
      %dma_start3A_138 = arith.constant 0 : i32
      %dma_start3A_139 = tpu.memref_slice %arg3[%squeeze3A_130, %dma_start3A_138] : memref<507904x128xf32, #tpu.memory_space<hbm>> -> memref<1x128xf32, #tpu.memory_space<hbm>>
      %dma_start3A_140 = tpu.memref_squeeze %dma_start3A_139 : memref<1x128xf32, #tpu.memory_space<hbm>> -> memref<128xf32, #tpu.memory_space<hbm>>
      %dma_start3A_141 = arith.constant 0 : i32
      %dma_start3A_142 = tpu.memref_slice %arg6[%add3A_134, %dma_start3A_141] : memref<512x128xf32, #tpu.memory_space<vmem>> -> memref<1x128xf32, #tpu.memory_space<vmem>>
      %dma_start3A_143 = tpu.memref_squeeze %dma_start3A_142 : memref<1x128xf32, #tpu.memory_space<vmem>> -> memref<128xf32, #tpu.memory_space<vmem>>
      %dma_start3A_144 = arith.constant 0 : i32
      %dma_start3A_145 = tpu.memref_slice %arg3[%squeeze3A_130, %dma_start3A_144] : memref<507904x128xf32, #tpu.memory_space<hbm>> -> memref<1x128xf32, #tpu.memory_space<hbm>>
      %dma_start3A_146 = tpu.memref_squeeze %dma_start3A_145 : memref<1x128xf32, #tpu.memory_space<hbm>> -> memref<128xf32, #tpu.memory_space<hbm>>
      tpu.enqueue_dma source(%dma_start3A_146 : memref<128xf32, #tpu.memory_space<hbm>>) target(%dma_start3A_143 : memref<128xf32, #tpu.memory_space<vmem>>) target_semaphore(%arg7 : memref<!tpu.dma_semaphore, #tpu.memory_space<semaphore_mem>>)
      %slice3A_147 = vector.extract_strided_slice %select_n3A {offsets = [7], sizes = [1], strides = [1]} : vector<16xi32> to vector<1xi32>
      %squeeze3A_148 = vector.extract %slice3A_147[0] : i32 from vector<1xi32>
      %mul3A_149 = arith.constant 16 : i32
      %mul3A_150 = arith.muli %scan3A_14, %mul3A_149 : i32
      %add3A_151 = arith.constant 7 : i32
      %add3A_152 = arith.addi %mul3A_150, %add3A_151 : i32
      %dma_start3A_153 = arith.constant 0 : i32
      %dma_start3A_154 = tpu.memref_slice %arg6[%add3A_152, %dma_start3A_153] : memref<512x128xf32, #tpu.memory_space<vmem>> -> memref<1x128xf32, #tpu.memory_space<vmem>>
      %dma_start3A_155 = tpu.memref_squeeze %dma_start3A_154 : memref<1x128xf32, #tpu.memory_space<vmem>> -> memref<128xf32, #tpu.memory_space<vmem>>
      %dma_start3A_156 = arith.constant 0 : i32
      %dma_start3A_157 = tpu.memref_slice %arg3[%squeeze3A_148, %dma_start3A_156] : memref<507904x128xf32, #tpu.memory_space<hbm>> -> memref<1x128xf32, #tpu.memory_space<hbm>>
      %dma_start3A_158 = tpu.memref_squeeze %dma_start3A_157 : memref<1x128xf32, #tpu.memory_space<hbm>> -> memref<128xf32, #tpu.memory_space<hbm>>
      %dma_start3A_159 = arith.constant 0 : i32
      %dma_start3A_160 = tpu.memref_slice %arg6[%add3A_152, %dma_start3A_159] : memref<512x128xf32, #tpu.memory_space<vmem>> -> memref<1x128xf32, #tpu.memory_space<vmem>>
      %dma_start3A_161 = tpu.memref_squeeze %dma_start3A_160 : memref<1x128xf32, #tpu.memory_space<vmem>> -> memref<128xf32, #tpu.memory_space<vmem>>
      %dma_start3A_162 = arith.constant 0 : i32
      %dma_start3A_163 = tpu.memref_slice %arg3[%squeeze3A_148, %dma_start3A_162] : memref<507904x128xf32, #tpu.memory_space<hbm>> -> memref<1x128xf32, #tpu.memory_space<hbm>>
      %dma_start3A_164 = tpu.memref_squeeze %dma_start3A_163 : memref<1x128xf32, #tpu.memory_space<hbm>> -> memref<128xf32, #tpu.memory_space<hbm>>
      tpu.enqueue_dma source(%dma_start3A_164 : memref<128xf32, #tpu.memory_space<hbm>>) target(%dma_start3A_161 : memref<128xf32, #tpu.memory_space<vmem>>) target_semaphore(%arg7 : memref<!tpu.dma_semaphore, #tpu.memory_space<semaphore_mem>>)
      %slice3A_165 = vector.extract_strided_slice %select_n3A {offsets = [8], sizes = [1], strides = [1]} : vector<16xi32> to vector<1xi32>
      %squeeze3A_166 = vector.extract %slice3A_165[0] : i32 from vector<1xi32>
      %mul3A_167 = arith.constant 16 : i32
      %mul3A_168 = arith.muli %scan3A_14, %mul3A_167 : i32
      %add3A_169 = arith.constant 8 : i32
      %add3A_170 = arith.addi %mul3A_168, %add3A_169 : i32
      %dma_start3A_171 = arith.constant 0 : i32
      %dma_start3A_172 = tpu.memref_slice %arg6[%add3A_170, %dma_start3A_171] : memref<512x128xf32, #tpu.memory_space<vmem>> -> memref<1x128xf32, #tpu.memory_space<vmem>>
      %dma_start3A_173 = tpu.memref_squeeze %dma_start3A_172 : memref<1x128xf32, #tpu.memory_space<vmem>> -> memref<128xf32, #tpu.memory_space<vmem>>
      %dma_start3A_174 = arith.constant 0 : i32
      %dma_start3A_175 = tpu.memref_slice %arg3[%squeeze3A_166, %dma_start3A_174] : memref<507904x128xf32, #tpu.memory_space<hbm>> -> memref<1x128xf32, #tpu.memory_space<hbm>>
      %dma_start3A_176 = tpu.memref_squeeze %dma_start3A_175 : memref<1x128xf32, #tpu.memory_space<hbm>> -> memref<128xf32, #tpu.memory_space<hbm>>
      %dma_start3A_177 = arith.constant 0 : i32
      %dma_start3A_178 = tpu.memref_slice %arg6[%add3A_170, %dma_start3A_177] : memref<512x128xf32, #tpu.memory_space<vmem>> -> memref<1x128xf32, #tpu.memory_space<vmem>>
      %dma_start3A_179 = tpu.memref_squeeze %dma_start3A_178 : memref<1x128xf32, #tpu.memory_space<vmem>> -> memref<128xf32, #tpu.memory_space<vmem>>
      %dma_start3A_180 = arith.constant 0 : i32
      %dma_start3A_181 = tpu.memref_slice %arg3[%squeeze3A_166, %dma_start3A_180] : memref<507904x128xf32, #tpu.memory_space<hbm>> -> memref<1x128xf32, #tpu.memory_space<hbm>>
      %dma_start3A_182 = tpu.memref_squeeze %dma_start3A_181 : memref<1x128xf32, #tpu.memory_space<hbm>> -> memref<128xf32, #tpu.memory_space<hbm>>
      tpu.enqueue_dma source(%dma_start3A_182 : memref<128xf32, #tpu.memory_space<hbm>>) target(%dma_start3A_179 : memref<128xf32, #tpu.memory_space<vmem>>) target_semaphore(%arg7 : memref<!tpu.dma_semaphore, #tpu.memory_space<semaphore_mem>>)
      %slice3A_183 = vector.extract_strided_slice %select_n3A {offsets = [9], sizes = [1], strides = [1]} : vector<16xi32> to vector<1xi32>
      %squeeze3A_184 = vector.extract %slice3A_183[0] : i32 from vector<1xi32>
      %mul3A_185 = arith.constant 16 : i32
      %mul3A_186 = arith.muli %scan3A_14, %mul3A_185 : i32
      %add3A_187 = arith.constant 9 : i32
      %add3A_188 = arith.addi %mul3A_186, %add3A_187 : i32
      %dma_start3A_189 = arith.constant 0 : i32
      %dma_start3A_190 = tpu.memref_slice %arg6[%add3A_188, %dma_start3A_189] : memref<512x128xf32, #tpu.memory_space<vmem>> -> memref<1x128xf32, #tpu.memory_space<vmem>>
      %dma_start3A_191 = tpu.memref_squeeze %dma_start3A_190 : memref<1x128xf32, #tpu.memory_space<vmem>> -> memref<128xf32, #tpu.memory_space<vmem>>
      %dma_start3A_192 = arith.constant 0 : i32
      %dma_start3A_193 = tpu.memref_slice %arg3[%squeeze3A_184, %dma_start3A_192] : memref<507904x128xf32, #tpu.memory_space<hbm>> -> memref<1x128xf32, #tpu.memory_space<hbm>>
      %dma_start3A_194 = tpu.memref_squeeze %dma_start3A_193 : memref<1x128xf32, #tpu.memory_space<hbm>> -> memref<128xf32, #tpu.memory_space<hbm>>
      %dma_start3A_195 = arith.constant 0 : i32
      %dma_start3A_196 = tpu.memref_slice %arg6[%add3A_188, %dma_start3A_195] : memref<512x128xf32, #tpu.memory_space<vmem>> -> memref<1x128xf32, #tpu.memory_space<vmem>>
      %dma_start3A_197 = tpu.memref_squeeze %dma_start3A_196 : memref<1x128xf32, #tpu.memory_space<vmem>> -> memref<128xf32, #tpu.memory_space<vmem>>
      %dma_start3A_198 = arith.constant 0 : i32
      %dma_start3A_199 = tpu.memref_slice %arg3[%squeeze3A_184, %dma_start3A_198] : memref<507904x128xf32, #tpu.memory_space<hbm>> -> memref<1x128xf32, #tpu.memory_space<hbm>>
      %dma_start3A_200 = tpu.memref_squeeze %dma_start3A_199 : memref<1x128xf32, #tpu.memory_space<hbm>> -> memref<128xf32, #tpu.memory_space<hbm>>
      tpu.enqueue_dma source(%dma_start3A_200 : memref<128xf32, #tpu.memory_space<hbm>>) target(%dma_start3A_197 : memref<128xf32, #tpu.memory_space<vmem>>) target_semaphore(%arg7 : memref<!tpu.dma_semaphore, #tpu.memory_space<semaphore_mem>>)
      %slice3A_201 = vector.extract_strided_slice %select_n3A {offsets = [10], sizes = [1], strides = [1]} : vector<16xi32> to vector<1xi32>
      %squeeze3A_202 = vector.extract %slice3A_201[0] : i32 from vector<1xi32>
      %mul3A_203 = arith.constant 16 : i32
      %mul3A_204 = arith.muli %scan3A_14, %mul3A_203 : i32
      %add3A_205 = arith.constant 10 : i32
      %add3A_206 = arith.addi %mul3A_204, %add3A_205 : i32
      %dma_start3A_207 = arith.constant 0 : i32
      %dma_start3A_208 = tpu.memref_slice %arg6[%add3A_206, %dma_start3A_207] : memref<512x128xf32, #tpu.memory_space<vmem>> -> memref<1x128xf32, #tpu.memory_space<vmem>>
      %dma_start3A_209 = tpu.memref_squeeze %dma_start3A_208 : memref<1x128xf32, #tpu.memory_space<vmem>> -> memref<128xf32, #tpu.memory_space<vmem>>
      %dma_start3A_210 = arith.constant 0 : i32
      %dma_start3A_211 = tpu.memref_slice %arg3[%squeeze3A_202, %dma_start3A_210] : memref<507904x128xf32, #tpu.memory_space<hbm>> -> memref<1x128xf32, #tpu.memory_space<hbm>>
      %dma_start3A_212 = tpu.memref_squeeze %dma_start3A_211 : memref<1x128xf32, #tpu.memory_space<hbm>> -> memref<128xf32, #tpu.memory_space<hbm>>
      %dma_start3A_213 = arith.constant 0 : i32
      %dma_start3A_214 = tpu.memref_slice %arg6[%add3A_206, %dma_start3A_213] : memref<512x128xf32, #tpu.memory_space<vmem>> -> memref<1x128xf32, #tpu.memory_space<vmem>>
      %dma_start3A_215 = tpu.memref_squeeze %dma_start3A_214 : memref<1x128xf32, #tpu.memory_space<vmem>> -> memref<128xf32, #tpu.memory_space<vmem>>
      %dma_start3A_216 = arith.constant 0 : i32
      %dma_start3A_217 = tpu.memref_slice %arg3[%squeeze3A_202, %dma_start3A_216] : memref<507904x128xf32, #tpu.memory_space<hbm>> -> memref<1x128xf32, #tpu.memory_space<hbm>>
      %dma_start3A_218 = tpu.memref_squeeze %dma_start3A_217 : memref<1x128xf32, #tpu.memory_space<hbm>> -> memref<128xf32, #tpu.memory_space<hbm>>
      tpu.enqueue_dma source(%dma_start3A_218 : memref<128xf32, #tpu.memory_space<hbm>>) target(%dma_start3A_215 : memref<128xf32, #tpu.memory_space<vmem>>) target_semaphore(%arg7 : memref<!tpu.dma_semaphore, #tpu.memory_space<semaphore_mem>>)
      %slice3A_219 = vector.extract_strided_slice %select_n3A {offsets = [11], sizes = [1], strides = [1]} : vector<16xi32> to vector<1xi32>
      %squeeze3A_220 = vector.extract %slice3A_219[0] : i32 from vector<1xi32>
      %mul3A_221 = arith.constant 16 : i32
      %mul3A_222 = arith.muli %scan3A_14, %mul3A_221 : i32
      %add3A_223 = arith.constant 11 : i32
      %add3A_224 = arith.addi %mul3A_222, %add3A_223 : i32
      %dma_start3A_225 = arith.constant 0 : i32
      %dma_start3A_226 = tpu.memref_slice %arg6[%add3A_224, %dma_start3A_225] : memref<512x128xf32, #tpu.memory_space<vmem>> -> memref<1x128xf32, #tpu.memory_space<vmem>>
      %dma_start3A_227 = tpu.memref_squeeze %dma_start3A_226 : memref<1x128xf32, #tpu.memory_space<vmem>> -> memref<128xf32, #tpu.memory_space<vmem>>
      %dma_start3A_228 = arith.constant 0 : i32
      %dma_start3A_229 = tpu.memref_slice %arg3[%squeeze3A_220, %dma_start3A_228] : memref<507904x128xf32, #tpu.memory_space<hbm>> -> memref<1x128xf32, #tpu.memory_space<hbm>>
      %dma_start3A_230 = tpu.memref_squeeze %dma_start3A_229 : memref<1x128xf32, #tpu.memory_space<hbm>> -> memref<128xf32, #tpu.memory_space<hbm>>
      %dma_start3A_231 = arith.constant 0 : i32
      %dma_start3A_232 = tpu.memref_slice %arg6[%add3A_224, %dma_start3A_231] : memref<512x128xf32, #tpu.memory_space<vmem>> -> memref<1x128xf32, #tpu.memory_space<vmem>>
      %dma_start3A_233 = tpu.memref_squeeze %dma_start3A_232 : memref<1x128xf32, #tpu.memory_space<vmem>> -> memref<128xf32, #tpu.memory_space<vmem>>
      %dma_start3A_234 = arith.constant 0 : i32
      %dma_start3A_235 = tpu.memref_slice %arg3[%squeeze3A_220, %dma_start3A_234] : memref<507904x128xf32, #tpu.memory_space<hbm>> -> memref<1x128xf32, #tpu.memory_space<hbm>>
      %dma_start3A_236 = tpu.memref_squeeze %dma_start3A_235 : memref<1x128xf32, #tpu.memory_space<hbm>> -> memref<128xf32, #tpu.memory_space<hbm>>
      tpu.enqueue_dma source(%dma_start3A_236 : memref<128xf32, #tpu.memory_space<hbm>>) target(%dma_start3A_233 : memref<128xf32, #tpu.memory_space<vmem>>) target_semaphore(%arg7 : memref<!tpu.dma_semaphore, #tpu.memory_space<semaphore_mem>>)
      %slice3A_237 = vector.extract_strided_slice %select_n3A {offsets = [12], sizes = [1], strides = [1]} : vector<16xi32> to vector<1xi32>
      %squeeze3A_238 = vector.extract %slice3A_237[0] : i32 from vector<1xi32>
      %mul3A_239 = arith.constant 16 : i32
      %mul3A_240 = arith.muli %scan3A_14, %mul3A_239 : i32
      %add3A_241 = arith.constant 12 : i32
      %add3A_242 = arith.addi %mul3A_240, %add3A_241 : i32
      %dma_start3A_243 = arith.constant 0 : i32
      %dma_start3A_244 = tpu.memref_slice %arg6[%add3A_242, %dma_start3A_243] : memref<512x128xf32, #tpu.memory_space<vmem>> -> memref<1x128xf32, #tpu.memory_space<vmem>>
      %dma_start3A_245 = tpu.memref_squeeze %dma_start3A_244 : memref<1x128xf32, #tpu.memory_space<vmem>> -> memref<128xf32, #tpu.memory_space<vmem>>
      %dma_start3A_246 = arith.constant 0 : i32
      %dma_start3A_247 = tpu.memref_slice %arg3[%squeeze3A_238, %dma_start3A_246] : memref<507904x128xf32, #tpu.memory_space<hbm>> -> memref<1x128xf32, #tpu.memory_space<hbm>>
      %dma_start3A_248 = tpu.memref_squeeze %dma_start3A_247 : memref<1x128xf32, #tpu.memory_space<hbm>> -> memref<128xf32, #tpu.memory_space<hbm>>
      %dma_start3A_249 = arith.constant 0 : i32
      %dma_start3A_250 = tpu.memref_slice %arg6[%add3A_242, %dma_start3A_249] : memref<512x128xf32, #tpu.memory_space<vmem>> -> memref<1x128xf32, #tpu.memory_space<vmem>>
      %dma_start3A_251 = tpu.memref_squeeze %dma_start3A_250 : memref<1x128xf32, #tpu.memory_space<vmem>> -> memref<128xf32, #tpu.memory_space<vmem>>
      %dma_start3A_252 = arith.constant 0 : i32
      %dma_start3A_253 = tpu.memref_slice %arg3[%squeeze3A_238, %dma_start3A_252] : memref<507904x128xf32, #tpu.memory_space<hbm>> -> memref<1x128xf32, #tpu.memory_space<hbm>>
      %dma_start3A_254 = tpu.memref_squeeze %dma_start3A_253 : memref<1x128xf32, #tpu.memory_space<hbm>> -> memref<128xf32, #tpu.memory_space<hbm>>
      tpu.enqueue_dma source(%dma_start3A_254 : memref<128xf32, #tpu.memory_space<hbm>>) target(%dma_start3A_251 : memref<128xf32, #tpu.memory_space<vmem>>) target_semaphore(%arg7 : memref<!tpu.dma_semaphore, #tpu.memory_space<semaphore_mem>>)
      %slice3A_255 = vector.extract_strided_slice %select_n3A {offsets = [13], sizes = [1], strides = [1]} : vector<16xi32> to vector<1xi32>
      %squeeze3A_256 = vector.extract %slice3A_255[0] : i32 from vector<1xi32>
      %mul3A_257 = arith.constant 16 : i32
      %mul3A_258 = arith.muli %scan3A_14, %mul3A_257 : i32
      %add3A_259 = arith.constant 13 : i32
      %add3A_260 = arith.addi %mul3A_258, %add3A_259 : i32
      %dma_start3A_261 = arith.constant 0 : i32
      %dma_start3A_262 = tpu.memref_slice %arg6[%add3A_260, %dma_start3A_261] : memref<512x128xf32, #tpu.memory_space<vmem>> -> memref<1x128xf32, #tpu.memory_space<vmem>>
      %dma_start3A_263 = tpu.memref_squeeze %dma_start3A_262 : memref<1x128xf32, #tpu.memory_space<vmem>> -> memref<128xf32, #tpu.memory_space<vmem>>
      %dma_start3A_264 = arith.constant 0 : i32
      %dma_start3A_265 = tpu.memref_slice %arg3[%squeeze3A_256, %dma_start3A_264] : memref<507904x128xf32, #tpu.memory_space<hbm>> -> memref<1x128xf32, #tpu.memory_space<hbm>>
      %dma_start3A_266 = tpu.memref_squeeze %dma_start3A_265 : memref<1x128xf32, #tpu.memory_space<hbm>> -> memref<128xf32, #tpu.memory_space<hbm>>
      %dma_start3A_267 = arith.constant 0 : i32
      %dma_start3A_268 = tpu.memref_slice %arg6[%add3A_260, %dma_start3A_267] : memref<512x128xf32, #tpu.memory_space<vmem>> -> memref<1x128xf32, #tpu.memory_space<vmem>>
      %dma_start3A_269 = tpu.memref_squeeze %dma_start3A_268 : memref<1x128xf32, #tpu.memory_space<vmem>> -> memref<128xf32, #tpu.memory_space<vmem>>
      %dma_start3A_270 = arith.constant 0 : i32
      %dma_start3A_271 = tpu.memref_slice %arg3[%squeeze3A_256, %dma_start3A_270] : memref<507904x128xf32, #tpu.memory_space<hbm>> -> memref<1x128xf32, #tpu.memory_space<hbm>>
      %dma_start3A_272 = tpu.memref_squeeze %dma_start3A_271 : memref<1x128xf32, #tpu.memory_space<hbm>> -> memref<128xf32, #tpu.memory_space<hbm>>
      tpu.enqueue_dma source(%dma_start3A_272 : memref<128xf32, #tpu.memory_space<hbm>>) target(%dma_start3A_269 : memref<128xf32, #tpu.memory_space<vmem>>) target_semaphore(%arg7 : memref<!tpu.dma_semaphore, #tpu.memory_space<semaphore_mem>>)
      %slice3A_273 = vector.extract_strided_slice %select_n3A {offsets = [14], sizes = [1], strides = [1]} : vector<16xi32> to vector<1xi32>
      %squeeze3A_274 = vector.extract %slice3A_273[0] : i32 from vector<1xi32>
      %mul3A_275 = arith.constant 16 : i32
      %mul3A_276 = arith.muli %scan3A_14, %mul3A_275 : i32
      %add3A_277 = arith.constant 14 : i32
      %add3A_278 = arith.addi %mul3A_276, %add3A_277 : i32
      %dma_start3A_279 = arith.constant 0 : i32
      %dma_start3A_280 = tpu.memref_slice %arg6[%add3A_278, %dma_start3A_279] : memref<512x128xf32, #tpu.memory_space<vmem>> -> memref<1x128xf32, #tpu.memory_space<vmem>>
      %dma_start3A_281 = tpu.memref_squeeze %dma_start3A_280 : memref<1x128xf32, #tpu.memory_space<vmem>> -> memref<128xf32, #tpu.memory_space<vmem>>
      %dma_start3A_282 = arith.constant 0 : i32
      %dma_start3A_283 = tpu.memref_slice %arg3[%squeeze3A_274, %dma_start3A_282] : memref<507904x128xf32, #tpu.memory_space<hbm>> -> memref<1x128xf32, #tpu.memory_space<hbm>>
      %dma_start3A_284 = tpu.memref_squeeze %dma_start3A_283 : memref<1x128xf32, #tpu.memory_space<hbm>> -> memref<128xf32, #tpu.memory_space<hbm>>
      %dma_start3A_285 = arith.constant 0 : i32
      %dma_start3A_286 = tpu.memref_slice %arg6[%add3A_278, %dma_start3A_285] : memref<512x128xf32, #tpu.memory_space<vmem>> -> memref<1x128xf32, #tpu.memory_space<vmem>>
      %dma_start3A_287 = tpu.memref_squeeze %dma_start3A_286 : memref<1x128xf32, #tpu.memory_space<vmem>> -> memref<128xf32, #tpu.memory_space<vmem>>
      %dma_start3A_288 = arith.constant 0 : i32
      %dma_start3A_289 = tpu.memref_slice %arg3[%squeeze3A_274, %dma_start3A_288] : memref<507904x128xf32, #tpu.memory_space<hbm>> -> memref<1x128xf32, #tpu.memory_space<hbm>>
      %dma_start3A_290 = tpu.memref_squeeze %dma_start3A_289 : memref<1x128xf32, #tpu.memory_space<hbm>> -> memref<128xf32, #tpu.memory_space<hbm>>
      tpu.enqueue_dma source(%dma_start3A_290 : memref<128xf32, #tpu.memory_space<hbm>>) target(%dma_start3A_287 : memref<128xf32, #tpu.memory_space<vmem>>) target_semaphore(%arg7 : memref<!tpu.dma_semaphore, #tpu.memory_space<semaphore_mem>>)
      %slice3A_291 = vector.extract_strided_slice %select_n3A {offsets = [15], sizes = [1], strides = [1]} : vector<16xi32> to vector<1xi32>
      %squeeze3A_292 = vector.extract %slice3A_291[0] : i32 from vector<1xi32>
      %mul3A_293 = arith.constant 16 : i32
      %mul3A_294 = arith.muli %scan3A_14, %mul3A_293 : i32
      %add3A_295 = arith.constant 15 : i32
      %add3A_296 = arith.addi %mul3A_294, %add3A_295 : i32
      %dma_start3A_297 = arith.constant 0 : i32
      %dma_start3A_298 = tpu.memref_slice %arg6[%add3A_296, %dma_start3A_297] : memref<512x128xf32, #tpu.memory_space<vmem>> -> memref<1x128xf32, #tpu.memory_space<vmem>>
      %dma_start3A_299 = tpu.memref_squeeze %dma_start3A_298 : memref<1x128xf32, #tpu.memory_space<vmem>> -> memref<128xf32, #tpu.memory_space<vmem>>
      %dma_start3A_300 = arith.constant 0 : i32
      %dma_start3A_301 = tpu.memref_slice %arg3[%squeeze3A_292, %dma_start3A_300] : memref<507904x128xf32, #tpu.memory_space<hbm>> -> memref<1x128xf32, #tpu.memory_space<hbm>>
      %dma_start3A_302 = tpu.memref_squeeze %dma_start3A_301 : memref<1x128xf32, #tpu.memory_space<hbm>> -> memref<128xf32, #tpu.memory_space<hbm>>
      %dma_start3A_303 = arith.constant 0 : i32
      %dma_start3A_304 = tpu.memref_slice %arg6[%add3A_296, %dma_start3A_303] : memref<512x128xf32, #tpu.memory_space<vmem>> -> memref<1x128xf32, #tpu.memory_space<vmem>>
      %dma_start3A_305 = tpu.memref_squeeze %dma_start3A_304 : memref<1x128xf32, #tpu.memory_space<vmem>> -> memref<128xf32, #tpu.memory_space<vmem>>
      %dma_start3A_306 = arith.constant 0 : i32
      %dma_start3A_307 = tpu.memref_slice %arg3[%squeeze3A_292, %dma_start3A_306] : memref<507904x128xf32, #tpu.memory_space<hbm>> -> memref<1x128xf32, #tpu.memory_space<hbm>>
      %dma_start3A_308 = tpu.memref_squeeze %dma_start3A_307 : memref<1x128xf32, #tpu.memory_space<hbm>> -> memref<128xf32, #tpu.memory_space<hbm>>
      tpu.enqueue_dma source(%dma_start3A_308 : memref<128xf32, #tpu.memory_space<hbm>>) target(%dma_start3A_305 : memref<128xf32, #tpu.memory_space<vmem>>) target_semaphore(%arg7 : memref<!tpu.dma_semaphore, #tpu.memory_space<semaphore_mem>>)
      %scan3A_309 = arith.constant 0 : i32
      scf.yield %scan3A_309 : i32
    }
    %scan3A_8 = arith.constant 32 : i32
    %dma_wait3A = arith.constant 0 : i32
    %dma_wait3A_9 = arith.constant 0 : i32
    %dma_wait3A_10 = tpu.memref_slice %arg4[%dma_wait3A, %dma_wait3A_9] : memref<16384x128xf32, #tpu.memory_space<hbm>> -> memref<512x128xf32, #tpu.memory_space<hbm>>
    %dma_wait3A_11 = arith.constant 0 : i32
    %dma_wait3A_12 = arith.constant 0 : i32
    %dma_wait3A_13 = tpu.memref_slice %arg4[%dma_wait3A_11, %dma_wait3A_12] : memref<16384x128xf32, #tpu.memory_space<hbm>> -> memref<512x128xf32, #tpu.memory_space<hbm>>
    tpu.wait_dma2 semaphore(%arg7 : memref<!tpu.dma_semaphore, #tpu.memory_space<semaphore_mem>>) src(%dma_wait3A_13 : memref<512x128xf32, #tpu.memory_space<hbm>>) dst(%arg6 : memref<512x128xf32, #tpu.memory_space<vmem>>)
    "tpu.region"() ({
      %run_scoped3A = tpu.sem_alloc : memref<!tpu.dma_semaphore, #tpu.memory_space<semaphore_mem>>
      %dma_start3A = arith.constant 0 : i32
      %dma_start3A_14 = tpu.memref_slice %arg4[%mul3A_2, %dma_start3A] : memref<16384x128xf32, #tpu.memory_space<hbm>> -> memref<512x128xf32, #tpu.memory_space<hbm>>
      %dma_start3A_15 = arith.constant 0 : i32
      %dma_start3A_16 = tpu.memref_slice %arg4[%mul3A_2, %dma_start3A_15] : memref<16384x128xf32, #tpu.memory_space<hbm>> -> memref<512x128xf32, #tpu.memory_space<hbm>>
      tpu.enqueue_dma source(%arg6 : memref<512x128xf32, #tpu.memory_space<vmem>>) target(%dma_start3A_16 : memref<512x128xf32, #tpu.memory_space<hbm>>) target_semaphore(%run_scoped3A : memref<!tpu.dma_semaphore, #tpu.memory_space<semaphore_mem>>)
      %dma_wait3A_17 = arith.constant 0 : i32
      %dma_wait3A_18 = tpu.memref_slice %arg4[%mul3A_2, %dma_wait3A_17] : memref<16384x128xf32, #tpu.memory_space<hbm>> -> memref<512x128xf32, #tpu.memory_space<hbm>>
      %dma_wait3A_19 = arith.constant 0 : i32
      %dma_wait3A_20 = tpu.memref_slice %arg4[%mul3A_2, %dma_wait3A_19] : memref<16384x128xf32, #tpu.memory_space<hbm>> -> memref<512x128xf32, #tpu.memory_space<hbm>>
      tpu.wait_dma2 semaphore(%run_scoped3A : memref<!tpu.dma_semaphore, #tpu.memory_space<semaphore_mem>>) src(%arg6 : memref<512x128xf32, #tpu.memory_space<vmem>>) dst(%dma_wait3A_20 : memref<512x128xf32, #tpu.memory_space<hbm>>)
      tpu.yield
    }) : () -> ()
    return
  }
}

module attributes {stable_mosaic.version = 14 : i64} {
  func.func @_pair_body(%arg0: i32, %arg1: memref<64x16384xf32, #tpu.memory_space<vmem>>, %arg2: memref<64x16384xf32, #tpu.memory_space<vmem>>, %arg3: memref<128x128xbf16, #tpu.memory_space<vmem>>, %arg4: memref<16384x128xf32, #tpu.memory_space<vmem>>) attributes {dimension_semantics = [#tpu.dimension_semantics<arbitrary>], iteration_bounds = array<i64: 31>, scalar_prefetch = 0 : i64, scratch_operands = 0 : i64, tpu.core_type = #tpu.core_type<tc>, window_params = [{transform_indices = @transform_0, window_bounds = array<i64: 64, 16384>}, {transform_indices = @transform_1, window_bounds = array<i64: 64, 16384>}, {pipeline_mode = #tpu.pipeline_mode<synchronous>, transform_indices = @transform_2, window_bounds = array<i64: 128, 128>}, {transform_indices = @transform_3, window_bounds = array<i64: 16384, 128>}]} {
    %get3A = arith.constant 0 : index
    %get3A_0 = arith.constant 0 : index
    %get3A_1 = vector.load %arg1[%get3A, %get3A_0] : memref<64x16384xf32, #tpu.memory_space<vmem>>, vector<64x16384xf32>
    %get3A_2 = arith.constant 0 : index
    %get3A_3 = arith.constant 0 : index
    %get3A_4 = vector.load %arg2[%get3A_2, %get3A_3] : memref<64x16384xf32, #tpu.memory_space<vmem>>, vector<64x16384xf32>
    %concatenate3A = tpu.concatenate %get3A_1, %get3A_4 in 0 : vector<64x16384xf32>, vector<64x16384xf32> -> vector<128x16384xf32>
    %convert_element_type3A = arith.truncf %concatenate3A : vector<128x16384xf32> to vector<128x16384xbf16>
    %get3A_5 = arith.constant 0 : index
    %get3A_6 = arith.constant 0 : index
    %get3A_7 = vector.load %arg3[%get3A_5, %get3A_6] : memref<128x128xbf16, #tpu.memory_space<vmem>>, vector<128x128xbf16>
    %dot_general3A = arith.constant dense<0.000000e+00> : vector<16384x128xf32>
    %dot_general3A_8 = tpu.matmul %convert_element_type3A, %get3A_7, %dot_general3A {dimension_numbers = #tpu.dot_dimension_numbers<[0], [0], [1], [1], [0, 1, 1, 1], [], []>, transpose_lhs_hint = false} : vector<128x16384xbf16>, vector<128x128xbf16>, vector<16384x128xf32> -> vector<16384x128xf32>
    %swap3A = arith.constant 0 : index
    %swap3A_9 = arith.constant 0 : index
    %swap3A_10 = vector.load %arg4[%swap3A, %swap3A_9] : memref<16384x128xf32, #tpu.memory_space<vmem>>, vector<16384x128xf32>
    tpu.vector_store %arg4[%swap3A, %swap3A_9], %dot_general3A_8 {strides = array<i32>} : memref<16384x128xf32, #tpu.memory_space<vmem>>, vector<16384x128xf32>,
    return
  }
  func.func @transform_0(%arg0: i32) -> (i32, i32) {
    %c0_i32 = arith.constant 0 : i32
    %c0_i32_0 = arith.constant 0 : i32
    return %c0_i32, %arg0 : i32, i32
  }
  func.func @transform_1(%arg0: i32) -> (i32, i32) {
    %add3A = arith.constant 31 : i32
    %add3A_0 = arith.addi %arg0, %add3A : i32
    %min3A = arith.constant 61 : i32
    %min3A_1 = arith.minsi %add3A_0, %min3A : i32
    %c0_i32 = arith.constant 0 : i32
    %c0_i32_2 = arith.constant 0 : i32
    return %c0_i32, %min3A_1 : i32, i32
  }
  func.func @transform_2(%arg0: i32) -> (i32, i32) {
    %c0_i32 = arith.constant 0 : i32
    %c0_i32_0 = arith.constant 0 : i32
    %c0_i32_1 = arith.constant 0 : i32
    return %c0_i32, %c0_i32_0 : i32, i32
  }
  func.func @transform_3(%arg0: i32) -> (i32, i32) {
    %c0_i32 = arith.constant 0 : i32
    %c0_i32_0 = arith.constant 0 : i32
    return %arg0, %c0_i32 : i32, i32
  }
}

module attributes {stable_mosaic.version = 14 : i64} {
  func.func @_mlp_body(%arg0: i32, %arg1: memref<2048x128xf32, #tpu.memory_space<vmem>>, %arg2: memref<2048x128xf32, #tpu.memory_space<vmem>>, %arg3: memref<2048x1xf32, #tpu.memory_space<vmem>>, %arg4: memref<2048x1xf32, #tpu.memory_space<vmem>>, %arg5: memref<64x256xf32, #tpu.memory_space<vmem>>, %arg6: memref<64x256xf32, #tpu.memory_space<vmem>>, %arg7: memref<1x256xf32, #tpu.memory_space<vmem>>, %arg8: memref<256x128xf32, #tpu.memory_space<vmem>>, %arg9: memref<1x128xf32, #tpu.memory_space<vmem>>, %arg10: memref<128x1xf32, #tpu.memory_space<vmem>>, %arg11: memref<1x1xf32, #tpu.memory_space<vmem>>, %arg12: memref<2048x1xf32, #tpu.memory_space<vmem>>) attributes {dimension_semantics = [#tpu.dimension_semantics<arbitrary>], iteration_bounds = array<i64: 8>, scalar_prefetch = 0 : i64, scratch_operands = 0 : i64, tpu.core_type = #tpu.core_type<tc>, window_params = [{transform_indices = @transform_0, window_bounds = array<i64: 2048, 128>}, {transform_indices = @transform_1, window_bounds = array<i64: 2048, 128>}, {transform_indices = @transform_2, window_bounds = array<i64: 2048, 1>}, {transform_indices = @transform_3, window_bounds = array<i64: 2048, 1>}, {pipeline_mode = #tpu.pipeline_mode<synchronous>, transform_indices = @transform_4, window_bounds = array<i64: 64, 256>}, {pipeline_mode = #tpu.pipeline_mode<synchronous>, transform_indices = @transform_5, window_bounds = array<i64: 64, 256>}, {pipeline_mode = #tpu.pipeline_mode<synchronous>, transform_indices = @transform_6, window_bounds = array<i64: 1, 256>}, {pipeline_mode = #tpu.pipeline_mode<synchronous>, transform_indices = @transform_7, window_bounds = array<i64: 256, 128>}, {pipeline_mode = #tpu.pipeline_mode<synchronous>, transform_indices = @transform_8, window_bounds = array<i64: 1, 128>}, {pipeline_mode = #tpu.pipeline_mode<synchronous>, transform_indices = @transform_9, window_bounds = array<i64: 128, 1>}, {pipeline_mode = #tpu.pipeline_mode<synchronous>, transform_indices = @transform_10, window_bounds = array<i64: 1, 1>}, {transform_indices = @transform_11, window_bounds = array<i64: 2048, 1>}]} {
    %get3A = arith.constant 0 : index
    %get3A_0 = arith.constant 0 : index
    %get3A_1 = vector.load %arg3[%get3A, %get3A_0] : memref<2048x1xf32, #tpu.memory_space<vmem>>, vector<2048x1xf32>
    %gt3A = arith.constant 5.000000e-01 : f32
    %gt3A_2 = vector.broadcast %gt3A : f32 to vector<2048x1xf32>
    %gt3A_3 = arith.cmpf ogt, %get3A_1, %gt3A_2 : vector<2048x1xf32>
    %get3A_4 = arith.constant 0 : index
    %get3A_5 = arith.constant 64 : index
    %get3A_6 = vector.load %arg1[%get3A_4, %get3A_5] : memref<2048x128xf32, #tpu.memory_space<vmem>>, vector<2048x64xf32>
    %get3A_7 = arith.constant 0 : index
    %get3A_8 = arith.constant 0 : index
    %get3A_9 = vector.load %arg1[%get3A_7, %get3A_8] : memref<2048x128xf32, #tpu.memory_space<vmem>>, vector<2048x64xf32>
    %broadcast_in_dim3A = vector.shape_cast %gt3A_3 : vector<2048x1xi1> to vector<2048x1xi1>
    %broadcast_in_dim3A_10 = vector.broadcast %broadcast_in_dim3A : vector<2048x1xi1> to vector<2048x64xi1>
    %select_n3A = arith.select %broadcast_in_dim3A_10, %get3A_6, %get3A_9 : vector<2048x64xi1>, vector<2048x64xf32>
    %get3A_11 = arith.constant 0 : index
    %get3A_12 = arith.constant 0 : index
    %get3A_13 = vector.load %arg4[%get3A_11, %get3A_12] : memref<2048x1xf32, #tpu.memory_space<vmem>>, vector<2048x1xf32>
    %gt3A_14 = arith.constant 5.000000e-01 : f32
    %gt3A_15 = vector.broadcast %gt3A_14 : f32 to vector<2048x1xf32>
    %gt3A_16 = arith.cmpf ogt, %get3A_13, %gt3A_15 : vector<2048x1xf32>
    %get3A_17 = arith.constant 0 : index
    %get3A_18 = arith.constant 64 : index
    %get3A_19 = vector.load %arg2[%get3A_17, %get3A_18] : memref<2048x128xf32, #tpu.memory_space<vmem>>, vector<2048x64xf32>
    %get3A_20 = arith.constant 0 : index
    %get3A_21 = arith.constant 0 : index
    %get3A_22 = vector.load %arg2[%get3A_20, %get3A_21] : memref<2048x128xf32, #tpu.memory_space<vmem>>, vector<2048x64xf32>
    %broadcast_in_dim3A_23 = vector.shape_cast %gt3A_16 : vector<2048x1xi1> to vector<2048x1xi1>
    %broadcast_in_dim3A_24 = vector.broadcast %broadcast_in_dim3A_23 : vector<2048x1xi1> to vector<2048x64xi1>
    %select_n3A_25 = arith.select %broadcast_in_dim3A_24, %get3A_19, %get3A_22 : vector<2048x64xi1>, vector<2048x64xf32>
    %get3A_26 = arith.constant 0 : index
    %get3A_27 = arith.constant 0 : index
    %get3A_28 = vector.load %arg5[%get3A_26, %get3A_27] : memref<64x256xf32, #tpu.memory_space<vmem>>, vector<64x256xf32>
    %dot_general3A = arith.constant dense<0.000000e+00> : vector<2048x256xf32>
    %dot_general3A_29 = tpu.matmul %select_n3A, %get3A_28, %dot_general3A {dimension_numbers = #tpu.dot_dimension_numbers<[1], [0], [0], [1], [0, 0, 1, 1], [], []>, transpose_lhs_hint = false} : vector<2048x64xf32>, vector<64x256xf32>, vector<2048x256xf32> -> vector<2048x256xf32>
    %get3A_30 = arith.constant 0 : index
    %get3A_31 = arith.constant 0 : index
    %get3A_32 = vector.load %arg6[%get3A_30, %get3A_31] : memref<64x256xf32, #tpu.memory_space<vmem>>, vector<64x256xf32>
    %dot_general3A_33 = arith.constant dense<0.000000e+00> : vector<2048x256xf32>
    %dot_general3A_34 = tpu.matmul %select_n3A_25, %get3A_32, %dot_general3A_33 {dimension_numbers = #tpu.dot_dimension_numbers<[1], [0], [0], [1], [0, 0, 1, 1], [], []>, transpose_lhs_hint = false} : vector<2048x64xf32>, vector<64x256xf32>, vector<2048x256xf32> -> vector<2048x256xf32>
    %add3A = arith.addf %dot_general3A_29, %dot_general3A_34 : vector<2048x256xf32>
    %get3A_35 = arith.constant 0 : index
    %get3A_36 = arith.constant 0 : index
    %get3A_37 = vector.load %arg7[%get3A_35, %get3A_36] : memref<1x256xf32, #tpu.memory_space<vmem>>, vector<1x256xf32>
    %add3A_38 = vector.broadcast %get3A_37 : vector<1x256xf32> to vector<2048x256xf32>
    %add3A_39 = arith.addf %add3A, %add3A_38 : vector<2048x256xf32>
    %max3A = arith.constant 0.000000e+00 : f32
    %max3A_40 = vector.broadcast %max3A : f32 to vector<2048x256xf32>
    %max3A_41 = arith.maximumf %add3A_39, %max3A_40 : vector<2048x256xf32>
    %get3A_42 = arith.constant 0 : index
    %get3A_43 = arith.constant 0 : index
    %get3A_44 = vector.load %arg8[%get3A_42, %get3A_43] : memref<256x128xf32, #tpu.memory_space<vmem>>, vector<256x128xf32>
    %dot_general3A_45 = arith.constant dense<0.000000e+00> : vector<2048x128xf32>
    %dot_general3A_46 = tpu.matmul %max3A_41, %get3A_44, %dot_general3A_45 {dimension_numbers = #tpu.dot_dimension_numbers<[1], [0], [0], [1], [0, 0, 1, 1], [], []>, transpose_lhs_hint = false} : vector<2048x256xf32>, vector<256x128xf32>, vector<2048x128xf32> -> vector<2048x128xf32>
    %get3A_47 = arith.constant 0 : index
    %get3A_48 = arith.constant 0 : index
    %get3A_49 = vector.load %arg9[%get3A_47, %get3A_48] : memref<1x128xf32, #tpu.memory_space<vmem>>, vector<1x128xf32>
    %add3A_50 = vector.broadcast %get3A_49 : vector<1x128xf32> to vector<2048x128xf32>
    %add3A_51 = arith.addf %dot_general3A_46, %add3A_50 : vector<2048x128xf32>
    %max3A_52 = arith.constant 0.000000e+00 : f32
    %max3A_53 = vector.broadcast %max3A_52 : f32 to vector<2048x128xf32>
    %max3A_54 = arith.maximumf %add3A_51, %max3A_53 : vector<2048x128xf32>
    %get3A_55 = arith.constant 0 : index
    %get3A_56 = arith.constant 0 : index
    %get3A_57 = vector.load %arg10[%get3A_55, %get3A_56] : memref<128x1xf32, #tpu.memory_space<vmem>>, vector<128x1xf32>
    %dot_general3A_58 = arith.constant dense<0.000000e+00> : vector<2048x1xf32>
    %dot_general3A_59 = tpu.matmul %max3A_54, %get3A_57, %dot_general3A_58 {dimension_numbers = #tpu.dot_dimension_numbers<[1], [0], [0], [1], [0, 0, 1, 1], [], []>, transpose_lhs_hint = false} : vector<2048x128xf32>, vector<128x1xf32>, vector<2048x1xf32> -> vector<2048x1xf32>
    %get3A_60 = arith.constant 0 : index
    %get3A_61 = arith.constant 0 : index
    %get3A_62 = vector.load %arg11[%get3A_60, %get3A_61] : memref<1x1xf32, #tpu.memory_space<vmem>>, vector<1x1xf32>
    %add3A_63 = vector.broadcast %get3A_62 : vector<1x1xf32> to vector<2048x1xf32>
    %add3A_64 = arith.addf %dot_general3A_59, %add3A_63 : vector<2048x1xf32>
    %swap3A = arith.constant 0 : index
    %swap3A_65 = arith.constant 0 : index
    %swap3A_66 = vector.load %arg12[%swap3A, %swap3A_65] : memref<2048x1xf32, #tpu.memory_space<vmem>>, vector<2048x1xf32>
    tpu.vector_store %arg12[%swap3A, %swap3A_65], %add3A_64 {strides = array<i32>} : memref<2048x1xf32, #tpu.memory_space<vmem>>, vector<2048x1xf32>,
    return
  }
  func.func @transform_0(%arg0: i32) -> (i32, i32) {
    %c0_i32 = arith.constant 0 : i32
    %c0_i32_0 = arith.constant 0 : i32
    return %arg0, %c0_i32 : i32, i32
  }
  func.func @transform_1(%arg0: i32) -> (i32, i32) {
    %c0_i32 = arith.constant 0 : i32
    %c0_i32_0 = arith.constant 0 : i32
    return %arg0, %c0_i32 : i32, i32
  }
  func.func @transform_2(%arg0: i32) -> (i32, i32) {
    %c0_i32 = arith.constant 0 : i32
    %c0_i32_0 = arith.constant 0 : i32
    return %arg0, %c0_i32 : i32, i32
  }
  func.func @transform_3(%arg0: i32) -> (i32, i32) {
    %c0_i32 = arith.constant 0 : i32
    %c0_i32_0 = arith.constant 0 : i32
    return %arg0, %c0_i32 : i32, i32
  }
  func.func @transform_4(%arg0: i32) -> (i32, i32) {
    %c0_i32 = arith.constant 0 : i32
    %c0_i32_0 = arith.constant 0 : i32
    %c0_i32_1 = arith.constant 0 : i32
    return %c0_i32, %c0_i32_0 : i32, i32
  }
  func.func @transform_5(%arg0: i32) -> (i32, i32) {
    %c0_i32 = arith.constant 0 : i32
    %c0_i32_0 = arith.constant 0 : i32
    %c0_i32_1 = arith.constant 0 : i32
    return %c0_i32, %c0_i32_0 : i32, i32
  }
  func.func @transform_6(%arg0: i32) -> (i32, i32) {
    %c0_i32 = arith.constant 0 : i32
    %c0_i32_0 = arith.constant 0 : i32
    %c0_i32_1 = arith.constant 0 : i32
    return %c0_i32, %c0_i32_0 : i32, i32
  }
  func.func @transform_7(%arg0: i32) -> (i32, i32) {
    %c0_i32 = arith.constant 0 : i32
    %c0_i32_0 = arith.constant 0 : i32
    %c0_i32_1 = arith.constant 0 : i32
    return %c0_i32, %c0_i32_0 : i32, i32
  }
  func.func @transform_8(%arg0: i32) -> (i32, i32) {
    %c0_i32 = arith.constant 0 : i32
    %c0_i32_0 = arith.constant 0 : i32
    %c0_i32_1 = arith.constant 0 : i32
    return %c0_i32, %c0_i32_0 : i32, i32
  }
  func.func @transform_9(%arg0: i32) -> (i32, i32) {
    %c0_i32 = arith.constant 0 : i32
    %c0_i32_0 = arith.constant 0 : i32
    %c0_i32_1 = arith.constant 0 : i32
    return %c0_i32, %c0_i32_0 : i32, i32
  }
  func.func @transform_10(%arg0: i32) -> (i32, i32) {
    %c0_i32 = arith.constant 0 : i32
    %c0_i32_0 = arith.constant 0 : i32
    %c0_i32_1 = arith.constant 0 : i32
    return %c0_i32, %c0_i32_0 : i32, i32
  }
  func.func @transform_11(%arg0: i32) -> (i32, i32) {
    %c0_i32 = arith.constant 0 : i32
    %c0_i32_0 = arith.constant 0 : i32
    return %arg0, %c0_i32 : i32, i32
  }
}

</mosaic_0001>

<sc_bundles>
// kernel: kernel.10.cloned.1.call-start
scs
__scs_entry_jumppad:
0x0: {  	(pc) =	sbr.rel $0x88, $3  }
0x1: {  	(tag) =	ssettag $0x0;
	lr =	simm.s32 $0x1  }
0x2: {  	[smem:$0x3F97] =	sst lr;
	_ =	strace $0xD0000000  }
0x3: {  	_ = 	snop  }
0x4: {  	_ = 	snop  }
0x5: {  	_ = 	snop  }
0x6: {  	_ = 	snop  }
0x7: {  	_ = 	snop  }
__scs_overlays_trampoline_lowered:
0x8: {  	[smem:$0x3FA6] =	sst s0  }
0x9: {  	[smem:$0x3FA7] =	sst s1  }
0xa: {  	[smem:$0x3FA8] =	sst s2  }
0xb: {  	[smem:$0x3FA9] =	sst s3  }
0xc: {  	[smem:$0x3FAA] =	sst s4  }
0xd: {  	[smem:$0x3FAB] =	sst s5  }
0xe: {  	[smem:$0x3FAC] =	sst s6  }
0xf: {  	[smem:$0x3FAD] =	sst s7  }
0x10: {  	[smem:$0x3FAE] =	sst s8  }
0x11: {  	[smem:$0x3FAF] =	sst s9;
	s0 =	simm.s32 @!p0 $0x0  }
0x12: {  	s1 =	sld [smem:$0x3F95];
	s0 =	simm.s32 @p0 $0x1  }
0x13: {  	[smem:$0x3FB0] =	sst s0;
	s0 =	simm.s32 @!p1 $0x0  }
0x14: {  	s2 =	sld [smem:$0x3F94];
	s0 =	simm.s32 @p1 $0x1  }
0x15: {  	[smem:$0x3FB1] =	sst s0;
	s0 =	simm.s32 @!p2 $0x0  }
0x16: {  	s3 =	sld [smem:$0x3FDB];
	s0 =	simm.s32 @p2 $0x1  }
0x17: {  	s4 =	simm.s32 $0x1BF5;
	[smem:$0x3FB3] =	sst s0  }
0x18: {  	s0 =	sld [smem:$0x3F96];
	_ =	swait.ge [sflag:s4], $0x0  }
0x19: {  	s7 =	sld [smem:$0x3F97]  }
0x1a: {  	s8 =	sadd.s32 $0xFFFFE003, lr  }
0x1b: {  	s9 =	sadd.s32 $0xFFFFFEF7, lr;
	s5 =	simm.s32 $0xFFFFFFFF;
	p2 =	slt.u32 s8, $0xFFFFF086  }
0x1c: {  	p1 =	slt.u32 s9, $0xF7A;
	s5 =	simm.s32 @!p2 $0x0  }
0x1d: {  	s5 =	simm.s32 @p1 $0x1;
	p0 =	seq.s32 s7, s2  }
0x1e: {  	s7 =	smul.u32 @!p0 $0xF7A, s2;
	p2 =	seq.s32 @!p0 s5, $0x0  }
0x1f: {  	s9 =	smul.u32 $0xF7A, s1;
	s8 =	simm.s32 @!p0 $0x1BF5;
	p2 =	por !p2, p0  }
0x20: {  	[sflag:s8] =	ssyncset.s32 @!p0 $0xFFFFF086;
	s6 =	sadd.s32 @!p0 s3, s7;
	s7 =	simm.s32 @!p0 $0x108  }
0x21: {  	s3 =	sadd.s32 s3, s9;
	s6 =	sadd.s32 @!p0 $0x88, s6;
	s7 =	simm.s32 @p2 $0x1082  }
0x22: {  	[simem:s7], [sflag:s8] =	dma.local @!p0 [hbm:s6], $0xF7A  }
0x23: {  	s9 =	sor.u32 $0xD0000000, s2;
	s6 =	simm.s32 $0x108;
	_ =	swait.ge @!p0 [sflag:s8], $0x0  }
0x24: {  	s3 =	sadd.s32 $0x88, s3;
	s6 =	simm.s32 @!p1 $0x1082;
	[sflag:s4] =	ssyncset.s32 $0xFFFFF086  }
0x25: {  	[simem:s6], [sflag:s4] =	dma.local [hbm:s3], $0xF7A  }
0x26: {  	[smem:$0x3F97] =	sst s1;
	(tag) =	ssettag s2;
	_ =	strace s9  }
0x27: {  	s1 =	sld [smem:$0x3FA7]  }
0x28: {  	s2 =	sld [smem:$0x3FA8]  }
0x29: {  	s4 =	sld [smem:$0x3FAA]  }
0x2a: {  	p0 =	seq.s32 s5, $0x0;
	s5 =	sld [smem:$0x3FAB]  }
0x2b: {  	s6 =	sld [smem:$0x3FAC]  }
0x2c: {  	s7 =	sld [smem:$0x3FAD]  }
0x2d: {  	s3 =	simm.s32 $0x108;
	s8 =	sld [smem:$0x3FAE]  }
0x2e: {  	s3 =	simm.s32 @!p0 $0x1082;
	s9 =	sld [smem:$0x3FAF]  }
0x2f: {  	lr =	sadd.s32 s0, s3;
	s0 =	sld [smem:$0x3FA6]  }
0x30: {  	s3 =	sld [smem:$0x3FA9]  }
0x31: {  	[smem:$0x3FB2] =	sst s10  }
0x32: {  	s10 =	sld [smem:$0x3FB0];
	_ =	sdelay $0x3  }
0x33: {  	p0 =	seq.s32 s10, $0x1;
	s10 =	sld [smem:$0x3FB2];
	_ =	sdelay $0x3  }
0x34: {  	[smem:$0x3FB2] =	sst s10  }
0x35: {  	s10 =	sld [smem:$0x3FB1];
	_ =	sdelay $0x3  }
0x36: {  	p1 =	seq.s32 s10, $0x1;
	s10 =	sld [smem:$0x3FB2];
	_ =	sdelay $0x3  }
0x37: {  	[smem:$0x3FB2] =	sst s10  }
0x38: {  	s10 =	sld [smem:$0x3FB3]  }
0x39: {  	_ = 	snop;
	(pc) =	sbr.ind lr, $3  }
0x3a: {  	_ = 	snop  }
0x3b: {  	_ = 	snop  }
0x3c: {  	p2 =	seq.s32 s10, $0x1;
	s10 =	sld [smem:$0x3FB2]  }
0x3d: {  	_ =	shalt  }
0x3e: {  	_ =	shalt  }
0x3f: {  	_ =	shalt  }
0x40: {  	_ =	shalt  }
0x41: {  	_ =	shalt  }
0x42: {  	_ =	shalt  }
0x43: {  	_ =	shalt  }
0x44: {  	_ =	shalt  }
0x45: {  	_ =	shalt  }
0x46: {  	_ =	shalt  }
0x47: {  	_ =	shalt  }
0x48: {  	_ =	shalt  }
0x49: {  	_ =	shalt  }
0x4a: {  	_ =	shalt  }
0x4b: {  	_ =	shalt  }
0x4c: {  	_ =	shalt  }
0x4d: {  	_ =	shalt  }
0x4e: {  	_ =	shalt  }
0x4f: {  	_ =	shalt  }
0x50: {  	_ =	shalt  }
0x51: {  	_ =	shalt  }
0x52: {  	_ =	shalt  }
0x53: {  	_ =	shalt  }
0x54: {  	_ =	shalt  }
0x55: {  	_ =	shalt  }
0x56: {  	_ =	shalt  }
0x57: {  	_ =	shalt  }
0x58: {  	_ =	shalt  }
0x59: {  	_ =	shalt  }
0x5a: {  	_ =	shalt  }
0x5b: {  	_ =	shalt  }
0x5c: {  	_ =	shalt  }
0x5d: {  	_ =	shalt  }
0x5e: {  	_ =	shalt  }
0x5f: {  	_ =	shalt  }
0x60: {  	_ =	shalt  }
0x61: {  	_ =	shalt  }
0x62: {  	_ =	shalt  }
0x63: {  	_ =	shalt  }
0x64: {  	_ =	shalt  }
0x65: {  	_ =	shalt  }
0x66: {  	_ =	shalt  }
0x67: {  	_ =	shalt  }
0x68: {  	_ =	shalt  }
0x69: {  	_ =	shalt  }
0x6a: {  	_ =	shalt  }
0x6b: {  	_ =	shalt  }
0x6c: {  	_ =	shalt  }
0x6d: {  	_ =	shalt  }
0x6e: {  	_ =	shalt  }
0x6f: {  	_ =	shalt  }
0x70: {  	_ =	shalt  }
0x71: {  	_ =	shalt  }
0x72: {  	_ =	shalt  }
0x73: {  	_ =	shalt  }
0x74: {  	_ =	shalt  }
0x75: {  	_ =	shalt  }
0x76: {  	_ =	shalt  }
0x77: {  	_ =	shalt  }
0x78: {  	_ =	shalt  }
0x79: {  	_ =	shalt  }
0x7a: {  	_ =	shalt  }
0x7b: {  	_ =	shalt  }
0x7c: {  	_ =	shalt  }
0x7d: {  	_ =	shalt  }
0x7e: {  	_ =	shalt  }
0x7f: {  	_ =	shalt  }
0x80: {  	_ =	shalt  }
0x81: {  	_ =	shalt  }
0x82: {  	_ =	shalt  }
0x83: {  	_ =	shalt  }
0x84: {  	_ =	shalt  }
0x85: {  	_ =	shalt  }
0x86: {  	_ =	shalt  }
0x87: {  	_ =	shalt  }
.Lfunc_end0:
.L_simem_size_0:
called_computation.1_lowered:
.L_overlay_start_0:
0x88: {  	s2 =	sld [smem:$0x3FD9]  }
0x89: {  	s3 =	sld [smem:$0x3FFE];
	_ =	sdelay $0x1  }
0x8a: {  	s1 =	srdreg.scid  }
0x8b: {  	s0 =	sand.u32 $0x1, s1  }
0x8c: {  	s17 =	sshll.u32 s0, $0xA;
	s2 =	sadd.s32 s3, s2  }
0x8d: {  	s2 =	sadd.s32 s2, s17  }
0x8e: {  	[smem:$0x3FBE] =	sst s2  }
0x8f: {  	_ = 	snop  }
0x90: {  	s2 =	sld [smem:$0x3FC8];
	(tm) =	ssettm $0x1  }
0x91: {  	s18 =	sld [smem:$0x3FFB];
	_ =	sdelay $0x3  }
0x92: {  	_ =	strace s18  }
0x93: {  	s3 =	sld [smem:$0x3FFC];
	_ =	sdelay $0x3  }
0x94: {  	_ =	strace s3  }
0x95: {  	s3 =	sld [smem:$0x3FFD];
	_ =	sdelay $0x3  }
0x96: {  	_ =	strace s3  }
0x97: {  	_ =	strace $0x8FFFFFFF  }
0x98: {  	s19 =	sld [smem:$0x3FDB];
	_ =	sdelay $0x1  }
0x99: {  	s4 =	simm.s32 $_scs_section_size  }
0x9a: {  	s5 =	simm.s32 $_size__tile_overlayer_lowered;
	s6 =	simm.s32 $_tile_overlayer_lowered  }
0x9b: {  	s22 =	simm.s32 $0x1BFF;
	s21 =	sshll.u32 s6, $0x1;
	s3 =	sadd.s32 s4, s19  }
0x9c: {  	s7 =	simm.s32 $0x0;
	s20 =	sshll.u32 s5, $0x1;
	s5 =	sadd.s32 s21, s3  }
0x9d: {  	[timem:s7], [sflag:s22] =	dma.local [hbm:s5], s20  }
0x9e: {  	_ =	swait.ge [sflag:s22], s20  }
0x9f: {  	s4 =	ssub.s32 $0x0, s20;
	[sflag:s22] =	ssyncset.done $0x0  }
0xa0: {  	[sflag:s22] =	ssyncadd.s32 s4;
	_ =	sdelay $0x1  }
0xa1: {  	s23 =	simm.s32 $0x1B8B  }
0xa2: {  	_ =	swait.ge [sflag:s23], $0x1  }
0xa3: {  	[sflag:s23] =	ssyncset.done $0x0  }
0xa4: {  	s25 =	simm.s32 $0x1B8E;
	s24 =	sld [smem:$0x3FFE];
	[sflag:s23] =	ssyncadd.s32 $0xFFFFFFFF  }
0xa5: {  	s26 =	simm.s32 $execute0_lowered;
	[smem:$0x3FD2] =	sst s25  }
0xa6: {  	s5 =	sshll.u32 s26, $0x1;
	_ =	strace $0x80000046;
	[dreg:$0x1] =	wrdreg $0xFFFFFFFF  }
0xa7: {  	s28 =	simm.s32 $_size_execute0_lowered;
	s3 =	sadd.s32 s3, s5;
	[dreg:$0x0] =	wrdreg $0x0  }
0xa8: {  	s5 =	sshll.u32 s28, $0x1;
	[dreg:$0x2] =	wrdreg s3  }
0xa9: {  	[dreg:$0x3] =	wrdreg s5  }
0xaa: {  	[dreg:$0x4] =	wrdreg $0xC0  }
0xab: {  	_ =	task [dreg:s7], $0x5FFFF  }
0xac: {  	[dreg:$0x1] =	wrdreg $0xFFFFFFFF  }
0xad: {  	[dreg:$0x0] =	wrdreg $0x60  }
0xae: {  	[dreg:$0x2] =	wrdreg s2  }
0xaf: {  	[dreg:$0x3] =	wrdreg s24  }
0xb0: {  	[dreg:$0x4] =	wrdreg $0xA  }
0xb1: {  	_ =	task.clear_ibuf [dreg:s7], $0x5FFFF;
	_ =	strace $0x90000046  }
0xb2: {  	s29 =	simm.s32 $0xA;
	_ =	strace $0x80000048  }
0xb3: {  	_ =	swait.ge [sflag:s29], $0x1  }
0xb4: {  	[sflag:s29] =	ssyncadd.s32 $0xFFFFFFFF  }
0xb5: {  	_ =	strace $0x90000048  }
0xb6: {  	_ =	sfence  }
0xb7: {  	s30 =	sld [smem:$0x0];
	_ =	sdelay $0x2  }
0xb8: {  	s31 =	sshll.u32 s1, $0xD;
	s1 =	sshrl.u32 s1, $0x2  }
0xb9: {  	s3 =	sand.u32 $0x4000, s31;
	s1 =	sadd.s32 s1, s30  }
0xba: {  	s0 =	sor.u32 s3, s0;
	s1 =	sshll.u32 s1, $0x11  }
0xbb: {  	s0 =	sor.u32 s1, s0  }
0xbc: {  	s0 =	sadd.s32 $0x8F2B, s0  }
0xbd: {  	[sflag:s0] =	ssyncadd.remote.s32 $0x1  }
0xbe: {  	_ =	sfence.sel $0xFFFF  }
0xbf: {  	[dreg:$0x0] =	wrdreg $0xFFFFFFFF;
	(pc) =	sbr.abs _section_cstart, $3  }
0xc0: {  	[dreg:$0x1] =	wrdreg $0xFFFFFFFF  }
0xc1: {  	_ =	task.clear_ibuf [dreg:s7], $0x2FFFF;
	_ =	strace $0x9FFFFFFF  }
0xc2: {  	(tm) =	ssettm $0x7FFFFFFF  }
0xc3: {  	_ =	shalt  }
tec
execute0_lowered:
.L_overlay_start_1:
0x0: {  	(tag) =	ssettag $0x1  }
0x1: {  	s4 =	rddreg [dreg:$0x0]  }
0x2: {  	s5 =	rddreg [dreg:$0x1]  }
0x3: {  	s0 =	rddreg [dreg:$0x2];
	s2 =	simm.s32 $0x0;
	s3 =	srdreg.scid  }
0x4: {  	s1 =	stileid.u32;
	s10 =	simm.s32 $0x0;
	s6 =	sand.u32 $0x1, s3  }
0x5: {  	[smem:$0x7FF] =	sst s2;
	s7 =	sshll.u32 s1, $0xA;
	s8 =	sshll.u32 s6, $0x9  }
0x6: {  	s3 =	sadd.s32 $0x1A00, s5;
	s6 =	ssub.s32 $0x2, s6;
	s7 =	sor.u32 s8, s7  }
0x7: {  	_ =	strace $0x80000047;
	s9 =	sshrl.u32 s6, $0x1;
	s8 =	sshll.u32 s7, $0x4  }
0x8: {  	s7 =	sshrl.u32 s7, $0x3;
	s6 =	ssub.s32 s6, s9;
	s9 =	simm.s32 $0x200  }
0x9: {  	s5 =	sadd.s32 s8, s5;
	s4 =	sadd.s32 s4, s7;
	s6 =	smax.u32 s6, $0x1  }
0xa: {  	s7 =	simm.s32 $0x2;
	s8 =	simm.s32 $0x1;
	s5 =	sadd.s32 $0x7C1A00, s5  }
.LBB2_1:
0xb: {  	[tilespmem:s2], [sflag:$0x2] =	stream.linear.gather [hbm4b:s4+s2], $0x200, $0x38;
	[tilespmem:$0x10200] =	vst v63  }
0xc: {  	_ =	swait.ge [sflag:s7], $0x200  }
0xd: {  	[sflag:s7] =	ssyncset.done $0x0  }
0xe: {  	[sflag:s7] =	ssyncadd.s32 $0xFFFFFE00  }
0xf: {  	v0 =	vld [tilespmem:s2+$0x0];
	_ =	sdelay $0x4  }
0x10: {  	vm0 =	vgt.s32 v0, $0x7BFFF;
	v1 =	vadd.s32 $0xFFF84000, v0  }
0x11: {  	v0 =	vsel vm0, v1, v0  }
0x12: {  	v0 =	vshll.u32 v0, $0x4  }
0x13: {  	(v2sf) =	vpush v0, $0x0  }
0x14: {  	(v2sf) =	vpush v0, $0x1  }
0x15: {  	(v2sf) =	vpush v0, $0x2;
	_ =	sdelay $0x1  }
0x16: {  	(v2sf) =	vpush v0, $0x4;
	_ =	sdelay $0x1  }
0x17: {  	(v2sf) =	vpush v0, $0x3  }
0x18: {  	(v2sf) =	vpush v0, $0x5  }
0x19: {  	s12 =	simm.s32 $0x2000;
	s11 =	simm.s32 $0x0;
	s13 =	simm.s32 $0x0;
	(v2sf) =	vpush v0, $0x6  }
.LBB2_2:
0x1a: {  	p0 =	sne.s32 s12, $0x3E000  }
0x1b: {  	s23 =	sadd.s32 $0x280, s11;
	s17 =	sadd.s32 $0x780, s11;
	s14 =	smov.u32 s12  }
0x1c: {  	s12 =	sadd.s32 $0x2000, s12;
	s20 =	sadd.s32 $0x580, s11;
	s15 =	sadd.s32 $0x800, s11;
	(v2sf) =	vpush v0, $0x7  }
0x1d: {  	s22 =	sadd.s32 $0x480, s11;
	s19 =	sadd.s32 $0x600, s11;
	s16 =	sadd.s32 $0x880, s11  }
0x1e: {  	s24 =	sadd.s32 $0x200, s11;
	s25 =	sadd.s32 $0x400, s11;
	(v2sf) =	vpush v0, $0x8  }
0x1f: {  	s26 =	sadd.s32 $0x500, s11;
	s13 =	sadd.s32 $0x10, s13  }
0x20: {  	s28 =	sadd.s32 $0x300, s11;
	s18 =	sadd.s32 $0x700, s11;
	s21 =	spop (v2sf);
	(v2sf) =	vpush v0, $0x9  }
0x21: {  	s29 =	sand.u32 $0x1FFFFFF0, s21;
	s21 =	sadd.s32 $0x680, s11;
	s30 =	spop (v2sf)  }
0x22: {  	s29 =	sadd.s32 s3, s29;
	s30 =	sand.u32 $0x1FFFFFF0, s30;
	s31 =	spop (v2sf);
	(v2sf) =	vpush v0, $0xA  }
0x23: {  	[tilespmem:s24], [sflag:$0x1] =	stream.linear.gather [hbm4b:s29+s2], $0x80, $0x38;
	[tilespmem:$0x10200] =	vst v63  }
0x24: {  	s24 =	sadd.s32 s3, s30;
	s29 =	sadd.s32 $0x380, s11;
	s30 =	spop (v2sf);
	(v2sf) =	vpush v0, $0xB  }
0x25: {  	[tilespmem:s23], [sflag:$0x1] =	stream.linear.gather [hbm4b:s24+s2], $0x80, $0x38;
	[tilespmem:$0x10200] =	vst v63  }
0x26: {  	s23 =	sand.u32 $0x1FFFFFF0, s31;
	s24 =	sand.u32 $0x1FFFFFF0, s30;
	s30 =	spop (v2sf);
	(v2sf) =	vpush v0, $0xC  }
0x27: {  	s23 =	sadd.s32 s3, s23;
	s30 =	sand.u32 $0x1FFFFFF0, s30;
	s31 =	spop (v2sf)  }
0x28: {  	[tilespmem:s28], [sflag:$0x1] =	stream.linear.gather [hbm4b:s23+s2], $0x80, $0x38;
	(v2sf) =	vpush v0, $0xD;
	[tilespmem:$0x10200] =	vst v63  }
0x29: {  	s23 =	sadd.s32 s3, s30;
	s28 =	sand.u32 $0x1FFFFFF0, s31;
	s30 =	spop (v2sf)  }
0x2a: {  	[tilespmem:s29], [sflag:$0x1] =	stream.linear.gather [hbm4b:s23+s2], $0x80, $0x38;
	(v2sf) =	vpush v0, $0xE;
	[tilespmem:$0x10200] =	vst v63  }
0x2b: {  	s23 =	sadd.s32 s3, s24;
	s24 =	sand.u32 $0x1FFFFFF0, s30;
	s29 =	spop (v2sf)  }
0x2c: {  	[tilespmem:s25], [sflag:$0x1] =	stream.linear.gather [hbm4b:s23+s2], $0x80, $0x38;
	(v2sf) =	vpush v0, $0xF;
	[tilespmem:$0x10200] =	vst v63  }
0x2d: {  	s23 =	sadd.s32 s3, s28;
	s25 =	sand.u32 $0x1FFFFFF0, s29;
	s28 =	spop (v2sf)  }
0x2e: {  	[tilespmem:s22], [sflag:$0x1] =	stream.linear.gather [hbm4b:s23+s2], $0x80, $0x38;
	[tilespmem:$0x10200] =	vst v63  }
0x2f: {  	s22 =	sadd.s32 s3, s24;
	s23 =	sand.u32 $0x1FFFFFF0, s28;
	s24 =	spop (v2sf)  }
0x30: {  	[tilespmem:s26], [sflag:$0x1] =	stream.linear.gather [hbm4b:s22+s2], $0x80, $0x38;
	[tilespmem:$0x10200] =	vst v63  }
0x31: {  	s22 =	sadd.s32 s3, s25;
	s24 =	sand.u32 $0x1FFFFFF0, s24;
	s25 =	spop (v2sf)  }
0x32: {  	[tilespmem:s20], [sflag:$0x1] =	stream.linear.gather [hbm4b:s22+s2], $0x80, $0x38;
	[tilespmem:$0x10200] =	vst v63  }
0x33: {  	s20 =	sadd.s32 s3, s23;
	s22 =	sand.u32 $0x1FFFFFF0, s25;
	s23 =	spop (v2sf)  }
0x34: {  	[tilespmem:s19], [sflag:$0x1] =	stream.linear.gather [hbm4b:s20+s2], $0x80, $0x38;
	[tilespmem:$0x10200] =	vst v63  }
0x35: {  	s19 =	sadd.s32 s3, s24;
	s20 =	sand.u32 $0x1FFFFFF0, s23;
	s23 =	spop (v2sf)  }
0x36: {  	[tilespmem:s21], [sflag:$0x1] =	stream.linear.gather [hbm4b:s19+s2], $0x80, $0x38;
	[tilespmem:$0x10200] =	vst v63  }
0x37: {  	s19 =	sadd.s32 s3, s22;
	s21 =	sand.u32 $0x1FFFFFF0, s23;
	s22 =	spop (v2sf)  }
0x38: {  	[tilespmem:s18], [sflag:$0x1] =	stream.linear.gather [hbm4b:s19+s2], $0x80, $0x38;
	[tilespmem:$0x10200] =	vst v63  }
0x39: {  	s18 =	sadd.s32 s3, s20;
	s19 =	sand.u32 $0x1FFFFFF0, s22;
	s20 =	spop (v2sf)  }
0x3a: {  	[tilespmem:s17], [sflag:$0x1] =	stream.linear.gather [hbm4b:s18+s2], $0x80, $0x38;
	[tilespmem:$0x10200] =	vst v63  }
0x3b: {  	s17 =	sadd.s32 s3, s21;
	s18 =	sand.u32 $0x1FFFFFF0, s20;
	s20 =	spop (v2sf)  }
0x3c: {  	[tilespmem:s15], [sflag:$0x1] =	stream.linear.gather [hbm4b:s17+s2], $0x80, $0x38;
	[tilespmem:$0x10200] =	vst v63  }
0x3d: {  	s15 =	sadd.s32 s3, s19;
	s17 =	sand.u32 $0x1FFFFFF0, s20  }
0x3e: {  	[tilespmem:s16], [sflag:$0x1] =	stream.linear.gather [hbm4b:s15+s2], $0x80, $0x38;
	[tilespmem:$0x10200] =	vst v63  }
0x3f: {  	s15 =	sadd.s32 $0x900, s11;
	s16 =	sadd.s32 s3, s18  }
0x40: {  	[tilespmem:s15], [sflag:$0x1] =	stream.linear.gather [hbm4b:s16+s2], $0x80, $0x38;
	[tilespmem:$0x10200] =	vst v63  }
0x41: {  	s11 =	sadd.s32 $0x980, s11;
	s15 =	sadd.s32 s3, s17  }
0x42: {  	[tilespmem:s11], [sflag:$0x1] =	stream.linear.gather [hbm4b:s15+s2], $0x80, $0x38;
	[tilespmem:$0x10200] =	vst v63  }
0x43: {  	v0 =	vld [tilespmem:s13+$0x0];
	_ =	sdelay $0x4  }
0x44: {  	vm0 =	vgt.s32 v0, $0x7BFFF;
	v1 =	vadd.s32 $0xFFF84000, v0  }
0x45: {  	v0 =	vsel vm0, v1, v0  }
0x46: {  	v0 =	vshll.u32 v0, $0x4  }
0x47: {  	(v2sf) =	vpush v0, $0x0  }
0x48: {  	(v2sf) =	vpush v0, $0x1  }
0x49: {  	(v2sf) =	vpush v0, $0x2;
	_ =	sdelay $0x1  }
0x4a: {  	(v2sf) =	vpush v0, $0x4  }
.Ltmp0:
0x4b: {  	(pc) =	sbr.rel @p0 .LBB2_2-.Ltmp0, $3  }
0x4c: {  	(v2sf) =	vpush v0, $0x3  }
0x4d: {  	(v2sf) =	vpush v0, $0x5;
	_ =	sdelay $0x1  }
0x4e: {  	s11 =	sshra.s32 s14, $0x2;
	(v2sf) =	vpush v0, $0x6  }
0x4f: {  	_ =	sdelay $0x1  }
0x50: {  	s15 =	sadd.s32 $0x280, s11;
	s14 =	sadd.s32 $0x780, s11  }
0x51: {  	s16 =	sadd.s32 $0x580, s11;
	s12 =	sadd.s32 $0x800, s11;
	(v2sf) =	vpush v0, $0x7;
	s17 =	sadd.s32 $0x480, s11  }
0x52: {  	s18 =	sadd.s32 $0x600, s11;
	s13 =	sadd.s32 $0x880, s11;
	s19 =	sadd.s32 $0x200, s11  }
0x53: {  	s20 =	sadd.s32 $0x400, s11;
	s21 =	sadd.s32 $0x500, s11;
	(v2sf) =	vpush v0, $0x8;
	s22 =	spop (v2sf)  }
0x54: {  	s23 =	sadd.s32 $0x300, s11;
	s22 =	sand.u32 $0x1FFFFFF0, s22;
	s24 =	spop (v2sf)  }
0x55: {  	(v2sf) =	vpush v0, $0x9;
	s22 =	sadd.s32 s3, s22;
	s24 =	sand.u32 $0x1FFFFFF0, s24;
	s25 =	spop (v2sf)  }
0x56: {  	[tilespmem:s19], [sflag:$0x1] =	stream.linear.gather [hbm4b:s22+s2], $0x80, $0x38;
	[tilespmem:$0x10200] =	vst v63  }
0x57: {  	s26 =	sadd.s32 $0x380, s11;
	(v2sf) =	vpush v0, $0xA;
	s30 =	sadd.s32 s3, s24;
	s31 =	spop (v2sf)  }
0x58: {  	[tilespmem:s15], [sflag:$0x1] =	stream.linear.gather [hbm4b:s30+s2], $0x80, $0x38;
	[tilespmem:$0x10200] =	vst v63  }
0x59: {  	s19 =	sadd.s32 $0x700, s11;
	s28 =	sand.u32 $0x1FFFFFF0, s25;
	(v2sf) =	vpush v0, $0xB;
	s29 =	spop (v2sf)  }
0x5a: {  	s22 =	sadd.s32 s3, s28;
	s15 =	sadd.s32 $0x680, s11;
	s25 =	sand.u32 $0x1FFFFFF0, s29  }
0x5b: {  	(v2sf) =	vpush v0, $0xC;
	[tilespmem:s23], [sflag:$0x1] =	stream.linear.gather [hbm4b:s22+s2], $0x80, $0x38;
	[tilespmem:$0x10200] =	vst v63  }
0x5c: {  	s30 =	sand.u32 $0x1FFFFFF0, s31;
	s31 =	spop (v2sf);
	s28 =	sadd.s32 s3, s25  }
0x5d: {  	(v2sf) =	vpush v0, $0xD;
	[tilespmem:s26], [sflag:$0x1] =	stream.linear.gather [hbm4b:s28+s2], $0x80, $0x38;
	[tilespmem:$0x10200] =	vst v63  }
0x5e: {  	s22 =	sadd.s32 s3, s30;
	s23 =	sand.u32 $0x1FFFFFF0, s31;
	s29 =	spop (v2sf)  }
0x5f: {  	(v2sf) =	vpush v0, $0xE;
	[tilespmem:s20], [sflag:$0x1] =	stream.linear.gather [hbm4b:s22+s2], $0x80, $0x38;
	[tilespmem:$0x10200] =	vst v63  }
0x60: {  	s23 =	sadd.s32 s3, s23;
	s30 =	sand.u32 $0x1FFFFFF0, s29;
	s31 =	spop (v2sf)  }
0x61: {  	(v2sf) =	vpush v0, $0xF;
	[tilespmem:s17], [sflag:$0x1] =	stream.linear.gather [hbm4b:s23+s2], $0x80, $0x38;
	[tilespmem:$0x10200] =	vst v63  }
0x62: {  	s24 =	sand.u32 $0x1FFFFFF0, s31;
	s25 =	spop (v2sf);
	s20 =	sadd.s32 s3, s30  }
0x63: {  	[tilespmem:s21], [sflag:$0x1] =	stream.linear.gather [hbm4b:s20+s2], $0x80, $0x38;
	[tilespmem:$0x10200] =	vst v63  }
0x64: {  	s26 =	sand.u32 $0x1FFFFFF0, s25;
	s17 =	sadd.s32 s3, s24;
	s28 =	spop (v2sf)  }
0x65: {  	[tilespmem:s16], [sflag:$0x1] =	stream.linear.gather [hbm4b:s17+s2], $0x80, $0x38;
	[tilespmem:$0x10200] =	vst v63  }
0x66: {  	s20 =	sadd.s32 s3, s26;
	s29 =	sand.u32 $0x1FFFFFF0, s28;
	s30 =	spop (v2sf)  }
0x67: {  	[tilespmem:s18], [sflag:$0x1] =	stream.linear.gather [hbm4b:s20+s2], $0x80, $0x38;
	[tilespmem:$0x10200] =	vst v63  }
0x68: {  	s17 =	sand.u32 $0x1FFFFFF0, s30;
	s16 =	sadd.s32 s3, s29;
	s31 =	spop (v2sf)  }
0x69: {  	[tilespmem:s15], [sflag:$0x1] =	stream.linear.gather [hbm4b:s16+s2], $0x80, $0x38;
	[tilespmem:$0x10200] =	vst v63  }
0x6a: {  	s17 =	sadd.s32 s3, s17;
	s20 =	sand.u32 $0x1FFFFFF0, s31;
	s21 =	spop (v2sf)  }
0x6b: {  	[tilespmem:s19], [sflag:$0x1] =	stream.linear.gather [hbm4b:s17+s2], $0x80, $0x38;
	[tilespmem:$0x10200] =	vst v63  }
0x6c: {  	s15 =	sadd.s32 s3, s20;
	s16 =	sand.u32 $0x1FFFFFF0, s21;
	s22 =	spop (v2sf)  }
0x6d: {  	[tilespmem:s14], [sflag:$0x1] =	stream.linear.gather [hbm4b:s15+s2], $0x80, $0x38;
	[tilespmem:$0x10200] =	vst v63  }
0x6e: {  	s23 =	sand.u32 $0x1FFFFFF0, s22;
	s16 =	sadd.s32 s3, s16;
	s24 =	spop (v2sf)  }
0x6f: {  	[tilespmem:s12], [sflag:$0x1] =	stream.linear.gather [hbm4b:s16+s2], $0x80, $0x38;
	[tilespmem:$0x10200] =	vst v63  }
0x70: {  	s25 =	sand.u32 $0x1FFFFFF0, s24;
	s26 =	spop (v2sf);
	s14 =	sadd.s32 s3, s23  }
0x71: {  	[tilespmem:s13], [sflag:$0x1] =	stream.linear.gather [hbm4b:s14+s2], $0x80, $0x38;
	[tilespmem:$0x10200] =	vst v63  }
0x72: {  	s29 =	sadd.s32 $0x900, s11;
	s28 =	sand.u32 $0x1FFFFFF0, s26;
	s12 =	sadd.s32 s3, s25  }
0x73: {  	[tilespmem:s29], [sflag:$0x1] =	stream.linear.gather [hbm4b:s12+s2], $0x80, $0x38;
	[tilespmem:$0x10200] =	vst v63  }
0x74: {  	s30 =	sadd.s32 $0x980, s11;
	s31 =	sadd.s32 s3, s28  }
0x75: {  	[tilespmem:s30], [sflag:$0x1] =	stream.linear.gather [hbm4b:s31+s2], $0x80, $0x38;
	[tilespmem:$0x10200] =	vst v63  }
0x76: {  	s10 =	sadd.s32 $0x1, s10;
	_ =	swait.ge [sflag:s8], $0x10000  }
0x77: {  	p0 =	sne.s32 s10, s6;
	[sflag:s8] =	ssyncset.done $0x0  }
.Ltmp1:
0x78: {  	[sflag:s8] =	ssyncadd.s32 $0xFFFF0000;
	(pc) =	sbr.rel @p0 .LBB2_1-.Ltmp1, $4  }
0x79: {  	[hbm4b:s5+s2] =	stream.linear.scatter [tilespmem:s9], [sflag:$0x2], $0x10000, $0x38;
	[tilespmem:$0x10200] =	vst v63  }
0x7a: {  	_ =	swait.ge [sflag:s7], $0x10000  }
0x7b: {  	[sflag:s7] =	ssyncset.done $0x0  }
0x7c: {  	[sflag:s7] =	ssyncadd.s32 $0xFFFF0000  }
0x7d: {  	_ =	sfence.sel $0x180000  }
0x7e: {  	[bflag:$0x0] =	sbarrier.arrive $0xFFFF  }
0x7f: {  	p0 =	sne.s32 s1, $0x0;
	_ =	strace $0x90000047  }
0x80: {  	s0 =	sadd.s32 @!p0 $0x100000, s0;
	[bflag:$0x2] =	sbarrier.arrive $0xFFFF  }
0x81: {  	[sflag:s0] =	ssyncadd.tile.s32 @!p0 $0x1;
	_ =	shalt  }
.Lfunc_end2:
_tile_overlayer_lowered:
.L_overlay_start_2:
0x82: {  	(tag) =	ssettag $0x2  }
0x83: {  	s0 =	rddreg [dreg:$0x0];
	s2 =	stileid.u32  }
0x84: {  	s1 =	rddreg [dreg:$0x1];
	p0 =	sne.s32 s2, $0x0  }
0x85: {  	s3 =	rddreg [dreg:$0x2];
	[bflag:$0x3] =	sbarrier.arrive $0xFFFF;
	s2 =	simm.s32 @!p0 $0x1C02  }
0x86: {  	[timem:s3], [sflag:s2] =	dma.local @!p0 [hbm:s0], s1  }
0x87: {  	s0 =	simm.s32 @!p0 $0x2  }
0x88: {  	_ =	swait.ge @!p0 [sflag:s0], s1  }
0x89: {  	s1 =	ssub.s32 @!p0 $0x0, s1;
	[sflag:s0] =	ssyncset.done @!p0 $0x0  }
0x8a: {  	[sflag:s0] =	ssyncadd.s32 @!p0 s1  }
0x8b: {  	[bflag:$0x3] =	sbarrier.arrive $0xFFFF  }
0x8c: {  	_ =	shalt  }

// kernel: kernel.7.cloned.1.call-start
scs
__scs_entry_jumppad:
0x0: {  	(pc) =	sbr.rel $0x88, $3  }
0x1: {  	(tag) =	ssettag $0x0;
	lr =	simm.s32 $0x1  }
0x2: {  	[smem:$0x3F97] =	sst lr;
	_ =	strace $0xD0000000  }
0x3: {  	_ = 	snop  }
0x4: {  	_ = 	snop  }
0x5: {  	_ = 	snop  }
0x6: {  	_ = 	snop  }
0x7: {  	_ = 	snop  }
__scs_overlays_trampoline_lowered:
0x8: {  	[smem:$0x3FA6] =	sst s0  }
0x9: {  	[smem:$0x3FA7] =	sst s1  }
0xa: {  	[smem:$0x3FA8] =	sst s2  }
0xb: {  	[smem:$0x3FA9] =	sst s3  }
0xc: {  	[smem:$0x3FAA] =	sst s4  }
0xd: {  	[smem:$0x3FAB] =	sst s5  }
0xe: {  	[smem:$0x3FAC] =	sst s6  }
0xf: {  	[smem:$0x3FAD] =	sst s7  }
0x10: {  	[smem:$0x3FAE] =	sst s8  }
0x11: {  	[smem:$0x3FAF] =	sst s9;
	s0 =	simm.s32 @!p0 $0x0  }
0x12: {  	s1 =	sld [smem:$0x3F95];
	s0 =	simm.s32 @p0 $0x1  }
0x13: {  	[smem:$0x3FB0] =	sst s0;
	s0 =	simm.s32 @!p1 $0x0  }
0x14: {  	s2 =	sld [smem:$0x3F94];
	s0 =	simm.s32 @p1 $0x1  }
0x15: {  	[smem:$0x3FB1] =	sst s0;
	s0 =	simm.s32 @!p2 $0x0  }
0x16: {  	s3 =	sld [smem:$0x3FDB];
	s0 =	simm.s32 @p2 $0x1  }
0x17: {  	s4 =	simm.s32 $0x1BF5;
	[smem:$0x3FB3] =	sst s0  }
0x18: {  	s0 =	sld [smem:$0x3F96];
	_ =	swait.ge [sflag:s4], $0x0  }
0x19: {  	s7 =	sld [smem:$0x3F97]  }
0x1a: {  	s8 =	sadd.s32 $0xFFFFE003, lr  }
0x1b: {  	s9 =	sadd.s32 $0xFFFFFEF7, lr;
	s5 =	simm.s32 $0xFFFFFFFF;
	p2 =	slt.u32 s8, $0xFFFFF086  }
0x1c: {  	p1 =	slt.u32 s9, $0xF7A;
	s5 =	simm.s32 @!p2 $0x0  }
0x1d: {  	s5 =	simm.s32 @p1 $0x1;
	p0 =	seq.s32 s7, s2  }
0x1e: {  	s7 =	smul.u32 @!p0 $0xF7A, s2;
	p2 =	seq.s32 @!p0 s5, $0x0  }
0x1f: {  	s9 =	smul.u32 $0xF7A, s1;
	s8 =	simm.s32 @!p0 $0x1BF5;
	p2 =	por !p2, p0  }
0x20: {  	[sflag:s8] =	ssyncset.s32 @!p0 $0xFFFFF086;
	s6 =	sadd.s32 @!p0 s3, s7;
	s7 =	simm.s32 @!p0 $0x108  }
0x21: {  	s3 =	sadd.s32 s3, s9;
	s6 =	sadd.s32 @!p0 $0x88, s6;
	s7 =	simm.s32 @p2 $0x1082  }
0x22: {  	[simem:s7], [sflag:s8] =	dma.local @!p0 [hbm:s6], $0xF7A  }
0x23: {  	s9 =	sor.u32 $0xD0000000, s2;
	s6 =	simm.s32 $0x108;
	_ =	swait.ge @!p0 [sflag:s8], $0x0  }
0x24: {  	s3 =	sadd.s32 $0x88, s3;
	s6 =	simm.s32 @!p1 $0x1082;
	[sflag:s4] =	ssyncset.s32 $0xFFFFF086  }
0x25: {  	[simem:s6], [sflag:s4] =	dma.local [hbm:s3], $0xF7A  }
0x26: {  	[smem:$0x3F97] =	sst s1;
	(tag) =	ssettag s2;
	_ =	strace s9  }
0x27: {  	s1 =	sld [smem:$0x3FA7]  }
0x28: {  	s2 =	sld [smem:$0x3FA8]  }
0x29: {  	s4 =	sld [smem:$0x3FAA]  }
0x2a: {  	p0 =	seq.s32 s5, $0x0;
	s5 =	sld [smem:$0x3FAB]  }
0x2b: {  	s6 =	sld [smem:$0x3FAC]  }
0x2c: {  	s7 =	sld [smem:$0x3FAD]  }
0x2d: {  	s3 =	simm.s32 $0x108;
	s8 =	sld [smem:$0x3FAE]  }
0x2e: {  	s3 =	simm.s32 @!p0 $0x1082;
	s9 =	sld [smem:$0x3FAF]  }
0x2f: {  	lr =	sadd.s32 s0, s3;
	s0 =	sld [smem:$0x3FA6]  }
0x30: {  	s3 =	sld [smem:$0x3FA9]  }
0x31: {  	[smem:$0x3FB2] =	sst s10  }
0x32: {  	s10 =	sld [smem:$0x3FB0];
	_ =	sdelay $0x3  }
0x33: {  	p0 =	seq.s32 s10, $0x1;
	s10 =	sld [smem:$0x3FB2];
	_ =	sdelay $0x3  }
0x34: {  	[smem:$0x3FB2] =	sst s10  }
0x35: {  	s10 =	sld [smem:$0x3FB1];
	_ =	sdelay $0x3  }
0x36: {  	p1 =	seq.s32 s10, $0x1;
	s10 =	sld [smem:$0x3FB2];
	_ =	sdelay $0x3  }
0x37: {  	[smem:$0x3FB2] =	sst s10  }
0x38: {  	s10 =	sld [smem:$0x3FB3]  }
0x39: {  	_ = 	snop;
	(pc) =	sbr.ind lr, $3  }
0x3a: {  	_ = 	snop  }
0x3b: {  	_ = 	snop  }
0x3c: {  	p2 =	seq.s32 s10, $0x1;
	s10 =	sld [smem:$0x3FB2]  }
0x3d: {  	_ =	shalt  }
0x3e: {  	_ =	shalt  }
0x3f: {  	_ =	shalt  }
0x40: {  	_ =	shalt  }
0x41: {  	_ =	shalt  }
0x42: {  	_ =	shalt  }
0x43: {  	_ =	shalt  }
0x44: {  	_ =	shalt  }
0x45: {  	_ =	shalt  }
0x46: {  	_ =	shalt  }
0x47: {  	_ =	shalt  }
0x48: {  	_ =	shalt  }
0x49: {  	_ =	shalt  }
0x4a: {  	_ =	shalt  }
0x4b: {  	_ =	shalt  }
0x4c: {  	_ =	shalt  }
0x4d: {  	_ =	shalt  }
0x4e: {  	_ =	shalt  }
0x4f: {  	_ =	shalt  }
0x50: {  	_ =	shalt  }
0x51: {  	_ =	shalt  }
0x52: {  	_ =	shalt  }
0x53: {  	_ =	shalt  }
0x54: {  	_ =	shalt  }
0x55: {  	_ =	shalt  }
0x56: {  	_ =	shalt  }
0x57: {  	_ =	shalt  }
0x58: {  	_ =	shalt  }
0x59: {  	_ =	shalt  }
0x5a: {  	_ =	shalt  }
0x5b: {  	_ =	shalt  }
0x5c: {  	_ =	shalt  }
0x5d: {  	_ =	shalt  }
0x5e: {  	_ =	shalt  }
0x5f: {  	_ =	shalt  }
0x60: {  	_ =	shalt  }
0x61: {  	_ =	shalt  }
0x62: {  	_ =	shalt  }
0x63: {  	_ =	shalt  }
0x64: {  	_ =	shalt  }
0x65: {  	_ =	shalt  }
0x66: {  	_ =	shalt  }
0x67: {  	_ =	shalt  }
0x68: {  	_ =	shalt  }
0x69: {  	_ =	shalt  }
0x6a: {  	_ =	shalt  }
0x6b: {  	_ =	shalt  }
0x6c: {  	_ =	shalt  }
0x6d: {  	_ =	shalt  }
0x6e: {  	_ =	shalt  }
0x6f: {  	_ =	shalt  }
0x70: {  	_ =	shalt  }
0x71: {  	_ =	shalt  }
0x72: {  	_ =	shalt  }
0x73: {  	_ =	shalt  }
0x74: {  	_ =	shalt  }
0x75: {  	_ =	shalt  }
0x76: {  	_ =	shalt  }
0x77: {  	_ =	shalt  }
0x78: {  	_ =	shalt  }
0x79: {  	_ =	shalt  }
0x7a: {  	_ =	shalt  }
0x7b: {  	_ =	shalt  }
0x7c: {  	_ =	shalt  }
0x7d: {  	_ =	shalt  }
0x7e: {  	_ =	shalt  }
0x7f: {  	_ =	shalt  }
0x80: {  	_ =	shalt  }
0x81: {  	_ =	shalt  }
0x82: {  	_ =	shalt  }
0x83: {  	_ =	shalt  }
0x84: {  	_ =	shalt  }
0x85: {  	_ =	shalt  }
0x86: {  	_ =	shalt  }
0x87: {  	_ =	shalt  }
.Lfunc_end0:
.L_simem_size_0:
called_computation_lowered:
.L_overlay_start_0:
0x88: {  	s2 =	sld [smem:$0x3FD9]  }
0x89: {  	s3 =	sld [smem:$0x3FFE];
	_ =	sdelay $0x1  }
0x8a: {  	s1 =	srdreg.scid  }
0x8b: {  	s0 =	sand.u32 $0x1, s1  }
0x8c: {  	s17 =	sshll.u32 s0, $0xA;
	s2 =	sadd.s32 s3, s2  }
0x8d: {  	s2 =	sadd.s32 s2, s17  }
0x8e: {  	[smem:$0x3FBE] =	sst s2  }
0x8f: {  	_ = 	snop  }
0x90: {  	s18 =	sld [smem:$0x3FC9];
	(tm) =	ssettm $0x1  }
0x91: {  	s19 =	sld [smem:$0x3FFB];
	_ =	sdelay $0x3  }
0x92: {  	_ =	strace s19  }
0x93: {  	s2 =	sld [smem:$0x3FFC];
	_ =	sdelay $0x3  }
0x94: {  	_ =	strace s2  }
0x95: {  	s2 =	sld [smem:$0x3FFD];
	_ =	sdelay $0x3  }
0x96: {  	_ =	strace s2  }
0x97: {  	_ =	strace $0x8FFFFFFF  }
0x98: {  	s20 =	sld [smem:$0x3FDB];
	_ =	sdelay $0x1  }
0x99: {  	s4 =	simm.s32 $_scs_section_size  }
0x9a: {  	s5 =	simm.s32 $_size__tile_overlayer_lowered;
	s6 =	simm.s32 $_tile_overlayer_lowered  }
0x9b: {  	s7 =	simm.s32 $0x1BFF;
	s21 =	sshll.u32 s6, $0x1;
	s4 =	sadd.s32 s4, s20  }
0x9c: {  	s22 =	simm.s32 $0x0;
	s5 =	sshll.u32 s5, $0x1;
	s6 =	sadd.s32 s21, s4  }
0x9d: {  	[timem:s22], [sflag:s7] =	dma.local [hbm:s6], s5  }
0x9e: {  	_ =	swait.ge [sflag:s7], s5  }
0x9f: {  	s5 =	ssub.s32 $0x0, s5;
	[sflag:s7] =	ssyncset.done $0x0  }
0xa0: {  	[sflag:s7] =	ssyncadd.s32 s5;
	_ =	sdelay $0x1  }
0xa1: {  	s23 =	simm.s32 $0x1B8B  }
0xa2: {  	_ =	swait.ge [sflag:s23], $0x1  }
0xa3: {  	[sflag:s23] =	ssyncset.done $0x0  }
0xa4: {  	[sflag:s23] =	ssyncadd.s32 $0xFFFFFFFF  }
0xa5: {  	s5 =	sld [smem:$0x0]  }
0xa6: {  	s6 =	sand.u32 $0xFFFFFFFE, s1  }
0xa7: {  	p0 =	sne.s32 s1, s6  }
0xa8: {  	s6 =	sshll.u32 @p0 s6, $0xE  }
0xa9: {  	s6 =	sadd.s32 @p0 $0x11B8D, s6;
	s7 =	sshll.u32 @p0 s5, $0x11  }
0xaa: {  	s6 =	sor.u32 @p0 s7, s6  }
0xab: {  	[sflag:s6] =	ssyncadd.remote.s32 @p0 $0x1;
	_ =	sdelay $0x1  }
0xac: {  	s6 =	simm.s32 @p0 $0x1B8D  }
0xad: {  	_ =	swait.eq @p0 [sflag:s6], $0x1  }
0xae: {  	[sflag:s6] =	ssyncadd.s32 @p0 $0xFFFFFFFF  }
0xaf: {  	s7 =	sshll.u32 @!p0 s1, $0xE  }
0xb0: {  	s7 =	sor.u32 @!p0 $0x4000, s7;
	s6 =	simm.s32 @!p0 $0x1B8D  }
0xb1: {  	s5 =	sshll.u32 @!p0 s5, $0x11;
	s7 =	sadd.s32 @!p0 $0x11B8D, s7;
	_ =	swait.eq @!p0 [sflag:s6], $0x1  }
0xb2: {  	s5 =	sor.u32 @!p0 s5, s7;
	[sflag:s6] =	ssyncadd.s32 @!p0 $0xFFFFFFFF  }
0xb3: {  	s25 =	simm.s32 $0x1B8E;
	s24 =	sld [smem:$0x3FFE];
	[sflag:s5] =	ssyncadd.remote.s32 @!p0 $0x1  }
0xb4: {  	s26 =	simm.s32 $execute0_lowered;
	[smem:$0x3FD2] =	sst s25  }
0xb5: {  	s6 =	sshll.u32 s26, $0x1;
	_ =	strace $0x80000049;
	[dreg:$0x1] =	wrdreg $0xFFFFFFFF  }
0xb6: {  	s28 =	simm.s32 $_size_execute0_lowered;
	s4 =	sadd.s32 s4, s6;
	[dreg:$0x0] =	wrdreg $0x0  }
0xb7: {  	s6 =	sshll.u32 s28, $0x1;
	[dreg:$0x2] =	wrdreg s4  }
0xb8: {  	[dreg:$0x3] =	wrdreg s6  }
0xb9: {  	[dreg:$0x4] =	wrdreg $0xC0  }
0xba: {  	_ =	task [dreg:s22], $0x5FFFF  }
0xbb: {  	[dreg:$0x1] =	wrdreg $0xFFFFFFFF  }
0xbc: {  	[dreg:$0x0] =	wrdreg $0x60  }
0xbd: {  	[dreg:$0x2] =	wrdreg s18  }
0xbe: {  	[dreg:$0x3] =	wrdreg s24  }
0xbf: {  	[dreg:$0x4] =	wrdreg $0x9  }
0xc0: {  	_ =	task.clear_ibuf [dreg:s22], $0x5FFFF;
	_ =	strace $0x90000049  }
0xc1: {  	s29 =	simm.s32 $0x9;
	_ =	strace $0x8000004B  }
0xc2: {  	_ =	swait.ge [sflag:s29], $0x1  }
0xc3: {  	[sflag:s29] =	ssyncadd.s32 $0xFFFFFFFF  }
0xc4: {  	_ =	strace $0x9000004B  }
0xc5: {  	_ =	sfence  }
0xc6: {  	s30 =	sld [smem:$0x0];
	_ =	sdelay $0x2  }
0xc7: {  	s31 =	sshll.u32 s1, $0xD;
	s1 =	sshrl.u32 s1, $0x2  }
0xc8: {  	s4 =	sand.u32 $0x4000, s31;
	s1 =	sadd.s32 s1, s30  }
0xc9: {  	s0 =	sor.u32 s4, s0;
	s1 =	sshll.u32 s1, $0x11  }
0xca: {  	s0 =	sor.u32 s1, s0  }
0xcb: {  	s0 =	sadd.s32 $0x8F2B, s0  }
0xcc: {  	[sflag:s0] =	ssyncadd.remote.s32 $0x1  }
0xcd: {  	_ =	sfence.sel $0xFFFF  }
0xce: {  	[dreg:$0x0] =	wrdreg $0xFFFFFFFF;
	(pc) =	sbr.abs _section_cstart, $3  }
0xcf: {  	[dreg:$0x1] =	wrdreg $0xFFFFFFFF  }
0xd0: {  	_ =	task.clear_ibuf [dreg:s22], $0x2FFFF;
	_ =	strace $0x9FFFFFFF  }
0xd1: {  	(tm) =	ssettm $0x7FFFFFFF  }
tec
execute0_lowered:
.L_overlay_start_1:
0x0: {  	(tag) =	ssettag $0x1  }
0x1: {  	s4 =	rddreg [dreg:$0x0]  }
0x2: {  	s5 =	rddreg [dreg:$0x1]  }
0x3: {  	s0 =	rddreg [dreg:$0x2];
	s2 =	simm.s32 $0x0;
	s3 =	srdreg.scid  }
0x4: {  	s1 =	stileid.u32;
	s10 =	simm.s32 $0x0;
	s6 =	sand.u32 $0x1, s3  }
0x5: {  	[smem:$0x7FF] =	sst s2;
	s7 =	sshll.u32 s1, $0xA;
	s8 =	sshll.u32 s6, $0x9  }
0x6: {  	s3 =	sadd.s32 $0x801A00, s5;
	s6 =	ssub.s32 $0x2, s6;
	s7 =	sor.u32 s8, s7  }
0x7: {  	_ =	strace $0x8000004A;
	s9 =	sshrl.u32 s6, $0x1;
	s8 =	sshll.u32 s7, $0x4  }
0x8: {  	s7 =	sshrl.u32 s7, $0x3;
	s6 =	ssub.s32 s6, s9;
	s9 =	simm.s32 $0x200  }
0x9: {  	s5 =	sadd.s32 s8, s5;
	s4 =	sadd.s32 s4, s7;
	s6 =	smax.u32 s6, $0x1  }
0xa: {  	s7 =	simm.s32 $0x2;
	s8 =	simm.s32 $0x1;
	s5 =	sadd.s32 $0xFC1A00, s5  }
.LBB2_1:
0xb: {  	[tilespmem:s2], [sflag:$0x2] =	stream.linear.gather [hbm4b:s4+s2], $0x200, $0x38;
	[tilespmem:$0x10200] =	vst v63  }
0xc: {  	_ =	swait.ge [sflag:s7], $0x200  }
0xd: {  	[sflag:s7] =	ssyncset.done $0x0  }
0xe: {  	[sflag:s7] =	ssyncadd.s32 $0xFFFFFE00  }
0xf: {  	v0 =	vld [tilespmem:s2+$0x0];
	_ =	sdelay $0x4  }
0x10: {  	vm0 =	vgt.s32 v0, $0x7BFFF;
	v1 =	vadd.s32 $0xFFF84000, v0  }
0x11: {  	v0 =	vsel vm0, v1, v0  }
0x12: {  	v0 =	vshll.u32 v0, $0x4  }
0x13: {  	(v2sf) =	vpush v0, $0x0  }
0x14: {  	(v2sf) =	vpush v0, $0x1  }
0x15: {  	(v2sf) =	vpush v0, $0x2;
	_ =	sdelay $0x1  }
0x16: {  	(v2sf) =	vpush v0, $0x4;
	_ =	sdelay $0x1  }
0x17: {  	(v2sf) =	vpush v0, $0x3  }
0x18: {  	(v2sf) =	vpush v0, $0x5  }
0x19: {  	s12 =	simm.s32 $0x2000;
	s11 =	simm.s32 $0x0;
	s13 =	simm.s32 $0x0;
	(v2sf) =	vpush v0, $0x6  }
.LBB2_2:
0x1a: {  	p0 =	sne.s32 s12, $0x3E000  }
0x1b: {  	s23 =	sadd.s32 $0x280, s11;
	s17 =	sadd.s32 $0x780, s11;
	s14 =	smov.u32 s12  }
0x1c: {  	s12 =	sadd.s32 $0x2000, s12;
	s20 =	sadd.s32 $0x580, s11;
	s15 =	sadd.s32 $0x800, s11;
	(v2sf) =	vpush v0, $0x7  }
0x1d: {  	s22 =	sadd.s32 $0x480, s11;
	s19 =	sadd.s32 $0x600, s11;
	s16 =	sadd.s32 $0x880, s11  }
0x1e: {  	s24 =	sadd.s32 $0x200, s11;
	s25 =	sadd.s32 $0x400, s11;
	(v2sf) =	vpush v0, $0x8  }
0x1f: {  	s26 =	sadd.s32 $0x500, s11;
	s13 =	sadd.s32 $0x10, s13  }
0x20: {  	s28 =	sadd.s32 $0x300, s11;
	s18 =	sadd.s32 $0x700, s11;
	s21 =	spop (v2sf);
	(v2sf) =	vpush v0, $0x9  }
0x21: {  	s29 =	sand.u32 $0x1FFFFFF0, s21;
	s21 =	sadd.s32 $0x680, s11;
	s30 =	spop (v2sf)  }
0x22: {  	s29 =	sadd.s32 s3, s29;
	s30 =	sand.u32 $0x1FFFFFF0, s30;
	s31 =	spop (v2sf);
	(v2sf) =	vpush v0, $0xA  }
0x23: {  	[tilespmem:s24], [sflag:$0x1] =	stream.linear.gather [hbm4b:s29+s2], $0x80, $0x38;
	[tilespmem:$0x10200] =	vst v63  }
0x24: {  	s24 =	sadd.s32 s3, s30;
	s29 =	sadd.s32 $0x380, s11;
	s30 =	spop (v2sf);
	(v2sf) =	vpush v0, $0xB  }
0x25: {  	[tilespmem:s23], [sflag:$0x1] =	stream.linear.gather [hbm4b:s24+s2], $0x80, $0x38;
	[tilespmem:$0x10200] =	vst v63  }
0x26: {  	s23 =	sand.u32 $0x1FFFFFF0, s31;
	s24 =	sand.u32 $0x1FFFFFF0, s30;
	s30 =	spop (v2sf);
	(v2sf) =	vpush v0, $0xC  }
0x27: {  	s23 =	sadd.s32 s3, s23;
	s30 =	sand.u32 $0x1FFFFFF0, s30;
	s31 =	spop (v2sf)  }
0x28: {  	[tilespmem:s28], [sflag:$0x1] =	stream.linear.gather [hbm4b:s23+s2], $0x80, $0x38;
	(v2sf) =	vpush v0, $0xD;
	[tilespmem:$0x10200] =	vst v63  }
0x29: {  	s23 =	sadd.s32 s3, s30;
	s28 =	sand.u32 $0x1FFFFFF0, s31;
	s30 =	spop (v2sf)  }
0x2a: {  	[tilespmem:s29], [sflag:$0x1] =	stream.linear.gather [hbm4b:s23+s2], $0x80, $0x38;
	(v2sf) =	vpush v0, $0xE;
	[tilespmem:$0x10200] =	vst v63  }
0x2b: {  	s23 =	sadd.s32 s3, s24;
	s24 =	sand.u32 $0x1FFFFFF0, s30;
	s29 =	spop (v2sf)  }
0x2c: {  	[tilespmem:s25], [sflag:$0x1] =	stream.linear.gather [hbm4b:s23+s2], $0x80, $0x38;
	(v2sf) =	vpush v0, $0xF;
	[tilespmem:$0x10200] =	vst v63  }
0x2d: {  	s23 =	sadd.s32 s3, s28;
	s25 =	sand.u32 $0x1FFFFFF0, s29;
	s28 =	spop (v2sf)  }
0x2e: {  	[tilespmem:s22], [sflag:$0x1] =	stream.linear.gather [hbm4b:s23+s2], $0x80, $0x38;
	[tilespmem:$0x10200] =	vst v63  }
0x2f: {  	s22 =	sadd.s32 s3, s24;
	s23 =	sand.u32 $0x1FFFFFF0, s28;
	s24 =	spop (v2sf)  }
0x30: {  	[tilespmem:s26], [sflag:$0x1] =	stream.linear.gather [hbm4b:s22+s2], $0x80, $0x38;
	[tilespmem:$0x10200] =	vst v63  }
0x31: {  	s22 =	sadd.s32 s3, s25;
	s24 =	sand.u32 $0x1FFFFFF0, s24;
	s25 =	spop (v2sf)  }
0x32: {  	[tilespmem:s20], [sflag:$0x1] =	stream.linear.gather [hbm4b:s22+s2], $0x80, $0x38;
	[tilespmem:$0x10200] =	vst v63  }
0x33: {  	s20 =	sadd.s32 s3, s23;
	s22 =	sand.u32 $0x1FFFFFF0, s25;
	s23 =	spop (v2sf)  }
0x34: {  	[tilespmem:s19], [sflag:$0x1] =	stream.linear.gather [hbm4b:s20+s2], $0x80, $0x38;
	[tilespmem:$0x10200] =	vst v63  }
0x35: {  	s19 =	sadd.s32 s3, s24;
	s20 =	sand.u32 $0x1FFFFFF0, s23;
	s23 =	spop (v2sf)  }
0x36: {  	[tilespmem:s21], [sflag:$0x1] =	stream.linear.gather [hbm4b:s19+s2], $0x80, $0x38;
	[tilespmem:$0x10200] =	vst v63  }
0x37: {  	s19 =	sadd.s32 s3, s22;
	s21 =	sand.u32 $0x1FFFFFF0, s23;
	s22 =	spop (v2sf)  }
0x38: {  	[tilespmem:s18], [sflag:$0x1] =	stream.linear.gather [hbm4b:s19+s2], $0x80, $0x38;
	[tilespmem:$0x10200] =	vst v63  }
0x39: {  	s18 =	sadd.s32 s3, s20;
	s19 =	sand.u32 $0x1FFFFFF0, s22;
	s20 =	spop (v2sf)  }
0x3a: {  	[tilespmem:s17], [sflag:$0x1] =	stream.linear.gather [hbm4b:s18+s2], $0x80, $0x38;
	[tilespmem:$0x10200] =	vst v63  }
0x3b: {  	s17 =	sadd.s32 s3, s21;
	s18 =	sand.u32 $0x1FFFFFF0, s20;
	s20 =	spop (v2sf)  }
0x3c: {  	[tilespmem:s15], [sflag:$0x1] =	stream.linear.gather [hbm4b:s17+s2], $0x80, $0x38;
	[tilespmem:$0x10200] =	vst v63  }
0x3d: {  	s15 =	sadd.s32 s3, s19;
	s17 =	sand.u32 $0x1FFFFFF0, s20  }
0x3e: {  	[tilespmem:s16], [sflag:$0x1] =	stream.linear.gather [hbm4b:s15+s2], $0x80, $0x38;
	[tilespmem:$0x10200] =	vst v63  }
0x3f: {  	s15 =	sadd.s32 $0x900, s11;
	s16 =	sadd.s32 s3, s18  }
0x40: {  	[tilespmem:s15], [sflag:$0x1] =	stream.linear.gather [hbm4b:s16+s2], $0x80, $0x38;
	[tilespmem:$0x10200] =	vst v63  }
0x41: {  	s11 =	sadd.s32 $0x980, s11;
	s15 =	sadd.s32 s3, s17  }
0x42: {  	[tilespmem:s11], [sflag:$0x1] =	stream.linear.gather [hbm4b:s15+s2], $0x80, $0x38;
	[tilespmem:$0x10200] =	vst v63  }
0x43: {  	v0 =	vld [tilespmem:s13+$0x0];
	_ =	sdelay $0x4  }
0x44: {  	vm0 =	vgt.s32 v0, $0x7BFFF;
	v1 =	vadd.s32 $0xFFF84000, v0  }
0x45: {  	v0 =	vsel vm0, v1, v0  }
0x46: {  	v0 =	vshll.u32 v0, $0x4  }
0x47: {  	(v2sf) =	vpush v0, $0x0  }
0x48: {  	(v2sf) =	vpush v0, $0x1  }
0x49: {  	(v2sf) =	vpush v0, $0x2;
	_ =	sdelay $0x1  }
0x4a: {  	(v2sf) =	vpush v0, $0x4  }
.Ltmp0:
0x4b: {  	(pc) =	sbr.rel @p0 .LBB2_2-.Ltmp0, $3  }
0x4c: {  	(v2sf) =	vpush v0, $0x3  }
0x4d: {  	(v2sf) =	vpush v0, $0x5;
	_ =	sdelay $0x1  }
0x4e: {  	s11 =	sshra.s32 s14, $0x2;
	(v2sf) =	vpush v0, $0x6  }
0x4f: {  	_ =	sdelay $0x1  }
0x50: {  	s15 =	sadd.s32 $0x280, s11;
	s14 =	sadd.s32 $0x780, s11  }
0x51: {  	s16 =	sadd.s32 $0x580, s11;
	s12 =	sadd.s32 $0x800, s11;
	(v2sf) =	vpush v0, $0x7;
	s17 =	sadd.s32 $0x480, s11  }
0x52: {  	s18 =	sadd.s32 $0x600, s11;
	s13 =	sadd.s32 $0x880, s11;
	s19 =	sadd.s32 $0x200, s11  }
0x53: {  	s20 =	sadd.s32 $0x400, s11;
	s21 =	sadd.s32 $0x500, s11;
	(v2sf) =	vpush v0, $0x8;
	s22 =	spop (v2sf)  }
0x54: {  	s23 =	sadd.s32 $0x300, s11;
	s22 =	sand.u32 $0x1FFFFFF0, s22;
	s24 =	spop (v2sf)  }
0x55: {  	(v2sf) =	vpush v0, $0x9;
	s22 =	sadd.s32 s3, s22;
	s24 =	sand.u32 $0x1FFFFFF0, s24;
	s25 =	spop (v2sf)  }
0x56: {  	[tilespmem:s19], [sflag:$0x1] =	stream.linear.gather [hbm4b:s22+s2], $0x80, $0x38;
	[tilespmem:$0x10200] =	vst v63  }
0x57: {  	s26 =	sadd.s32 $0x380, s11;
	(v2sf) =	vpush v0, $0xA;
	s30 =	sadd.s32 s3, s24;
	s31 =	spop (v2sf)  }
0x58: {  	[tilespmem:s15], [sflag:$0x1] =	stream.linear.gather [hbm4b:s30+s2], $0x80, $0x38;
	[tilespmem:$0x10200] =	vst v63  }
0x59: {  	s19 =	sadd.s32 $0x700, s11;
	s28 =	sand.u32 $0x1FFFFFF0, s25;
	(v2sf) =	vpush v0, $0xB;
	s29 =	spop (v2sf)  }
0x5a: {  	s22 =	sadd.s32 s3, s28;
	s15 =	sadd.s32 $0x680, s11;
	s25 =	sand.u32 $0x1FFFFFF0, s29  }
0x5b: {  	(v2sf) =	vpush v0, $0xC;
	[tilespmem:s23], [sflag:$0x1] =	stream.linear.gather [hbm4b:s22+s2], $0x80, $0x38;
	[tilespmem:$0x10200] =	vst v63  }
0x5c: {  	s30 =	sand.u32 $0x1FFFFFF0, s31;
	s31 =	spop (v2sf);
	s28 =	sadd.s32 s3, s25  }
0x5d: {  	(v2sf) =	vpush v0, $0xD;
	[tilespmem:s26], [sflag:$0x1] =	stream.linear.gather [hbm4b:s28+s2], $0x80, $0x38;
	[tilespmem:$0x10200] =	vst v63  }
0x5e: {  	s22 =	sadd.s32 s3, s30;
	s23 =	sand.u32 $0x1FFFFFF0, s31;
	s29 =	spop (v2sf)  }
0x5f: {  	(v2sf) =	vpush v0, $0xE;
	[tilespmem:s20], [sflag:$0x1] =	stream.linear.gather [hbm4b:s22+s2], $0x80, $0x38;
	[tilespmem:$0x10200] =	vst v63  }
0x60: {  	s23 =	sadd.s32 s3, s23;
	s30 =	sand.u32 $0x1FFFFFF0, s29;
	s31 =	spop (v2sf)  }
0x61: {  	(v2sf) =	vpush v0, $0xF;
	[tilespmem:s17], [sflag:$0x1] =	stream.linear.gather [hbm4b:s23+s2], $0x80, $0x38;
	[tilespmem:$0x10200] =	vst v63  }
0x62: {  	s24 =	sand.u32 $0x1FFFFFF0, s31;
	s25 =	spop (v2sf);
	s20 =	sadd.s32 s3, s30  }
0x63: {  	[tilespmem:s21], [sflag:$0x1] =	stream.linear.gather [hbm4b:s20+s2], $0x80, $0x38;
	[tilespmem:$0x10200] =	vst v63  }
0x64: {  	s26 =	sand.u32 $0x1FFFFFF0, s25;
	s17 =	sadd.s32 s3, s24;
	s28 =	spop (v2sf)  }
0x65: {  	[tilespmem:s16], [sflag:$0x1] =	stream.linear.gather [hbm4b:s17+s2], $0x80, $0x38;
	[tilespmem:$0x10200] =	vst v63  }
0x66: {  	s20 =	sadd.s32 s3, s26;
	s29 =	sand.u32 $0x1FFFFFF0, s28;
	s30 =	spop (v2sf)  }
0x67: {  	[tilespmem:s18], [sflag:$0x1] =	stream.linear.gather [hbm4b:s20+s2], $0x80, $0x38;
	[tilespmem:$0x10200] =	vst v63  }
0x68: {  	s17 =	sand.u32 $0x1FFFFFF0, s30;
	s16 =	sadd.s32 s3, s29;
	s31 =	spop (v2sf)  }
0x69: {  	[tilespmem:s15], [sflag:$0x1] =	stream.linear.gather [hbm4b:s16+s2], $0x80, $0x38;
	[tilespmem:$0x10200] =	vst v63  }
0x6a: {  	s17 =	sadd.s32 s3, s17;
	s20 =	sand.u32 $0x1FFFFFF0, s31;
	s21 =	spop (v2sf)  }
0x6b: {  	[tilespmem:s19], [sflag:$0x1] =	stream.linear.gather [hbm4b:s17+s2], $0x80, $0x38;
	[tilespmem:$0x10200] =	vst v63  }
0x6c: {  	s15 =	sadd.s32 s3, s20;
	s16 =	sand.u32 $0x1FFFFFF0, s21;
	s22 =	spop (v2sf)  }
0x6d: {  	[tilespmem:s14], [sflag:$0x1] =	stream.linear.gather [hbm4b:s15+s2], $0x80, $0x38;
	[tilespmem:$0x10200] =	vst v63  }
0x6e: {  	s23 =	sand.u32 $0x1FFFFFF0, s22;
	s16 =	sadd.s32 s3, s16;
	s24 =	spop (v2sf)  }
0x6f: {  	[tilespmem:s12], [sflag:$0x1] =	stream.linear.gather [hbm4b:s16+s2], $0x80, $0x38;
	[tilespmem:$0x10200] =	vst v63  }
0x70: {  	s25 =	sand.u32 $0x1FFFFFF0, s24;
	s26 =	spop (v2sf);
	s14 =	sadd.s32 s3, s23  }
0x71: {  	[tilespmem:s13], [sflag:$0x1] =	stream.linear.gather [hbm4b:s14+s2], $0x80, $0x38;
	[tilespmem:$0x10200] =	vst v63  }
0x72: {  	s29 =	sadd.s32 $0x900, s11;
	s28 =	sand.u32 $0x1FFFFFF0, s26;
	s12 =	sadd.s32 s3, s25  }
0x73: {  	[tilespmem:s29], [sflag:$0x1] =	stream.linear.gather [hbm4b:s12+s2], $0x80, $0x38;
	[tilespmem:$0x10200] =	vst v63  }
0x74: {  	s30 =	sadd.s32 $0x980, s11;
	s31 =	sadd.s32 s3, s28  }
0x75: {  	[tilespmem:s30], [sflag:$0x1] =	stream.linear.gather [hbm4b:s31+s2], $0x80, $0x38;
	[tilespmem:$0x10200] =	vst v63  }
0x76: {  	s10 =	sadd.s32 $0x1, s10;
	_ =	swait.ge [sflag:s8], $0x10000  }
0x77: {  	p0 =	sne.s32 s10, s6;
	[sflag:s8] =	ssyncset.done $0x0  }
.Ltmp1:
0x78: {  	[sflag:s8] =	ssyncadd.s32 $0xFFFF0000;
	(pc) =	sbr.rel @p0 .LBB2_1-.Ltmp1, $4  }
0x79: {  	[hbm4b:s5+s2] =	stream.linear.scatter [tilespmem:s9], [sflag:$0x2], $0x10000, $0x38;
	[tilespmem:$0x10200] =	vst v63  }
0x7a: {  	_ =	swait.ge [sflag:s7], $0x10000  }
0x7b: {  	[sflag:s7] =	ssyncset.done $0x0  }
0x7c: {  	[sflag:s7] =	ssyncadd.s32 $0xFFFF0000  }
0x7d: {  	_ =	sfence.sel $0x180000  }
0x7e: {  	[bflag:$0x0] =	sbarrier.arrive $0xFFFF  }
0x7f: {  	p0 =	sne.s32 s1, $0x0;
	_ =	strace $0x9000004A  }
0x80: {  	s0 =	sadd.s32 @!p0 $0x100000, s0;
	[bflag:$0x2] =	sbarrier.arrive $0xFFFF  }
0x81: {  	[sflag:s0] =	ssyncadd.tile.s32 @!p0 $0x1;
	_ =	shalt  }
.Lfunc_end2:
_tile_overlayer_lowered:
.L_overlay_start_2:
0x82: {  	(tag) =	ssettag $0x2  }
0x83: {  	s0 =	rddreg [dreg:$0x0];
	s2 =	stileid.u32  }
0x84: {  	s1 =	rddreg [dreg:$0x1];
	p0 =	sne.s32 s2, $0x0  }
0x85: {  	s3 =	rddreg [dreg:$0x2];
	[bflag:$0x3] =	sbarrier.arrive $0xFFFF;
	s2 =	simm.s32 @!p0 $0x1C02  }
0x86: {  	[timem:s3], [sflag:s2] =	dma.local @!p0 [hbm:s0], s1  }
0x87: {  	s0 =	simm.s32 @!p0 $0x2  }
0x88: {  	_ =	swait.ge @!p0 [sflag:s0], s1  }
0x89: {  	s1 =	ssub.s32 @!p0 $0x0, s1;
	[sflag:s0] =	ssyncset.done @!p0 $0x0  }
0x8a: {  	[sflag:s0] =	ssyncadd.s32 @!p0 s1  }
0x8b: {  	[bflag:$0x3] =	sbarrier.arrive $0xFFFF  }
0x8c: {  	_ =	shalt  }

</sc_bundles>
